<compile_context>
chip_gen: v7x
topology: tpu7x:2x2x1
jax: 0.10.2.dev20260603
libtpu: 0.0.44.dev20260713+nightly
codegen_flags: <defaults>
</compile_context>

<pallas_src>
import functools

import jax
import jax.numpy as jnp
from jax import lax
from jax.experimental import pallas as pl
from jax.experimental.pallas import tpu as pltpu
from jax.experimental.pallas import tpu_sc as plsc

M, N, B = 16384, 4096, 8
CU = 4
NP = N + CU * 2
D_IN, D_SK, D_H, D_OUT = 128, 64, 256, 128
NC, NS, L = 2, 16, 16
NW = NC * NS
PW = M // NW
NG = PW // L
CH = 64
NCH = PW // CH
BIG = 1e10
IDXM = 0x1FFF


def _sc_body(cpx_h, cpy_h, cpz_h, cb_h, fpx_h, fpy_h, fpz_h, fb_h, lo_h, hi_h,
             xtab_h, y_h,
             cpx, cpy, cpz, cb, c2, fpx, fpy, fpz, fb, lov, hiv,
             i0b, i1b, i2b, w0b, w1b, w2b, r0a, r1a, r2a, oba, sga):
    wid = lax.axis_index("s") * NC + lax.axis_index("c")
    base = wid * PW

    pltpu.sync_copy(cpx_h, cpx)
    pltpu.sync_copy(cpy_h, cpy)
    pltpu.sync_copy(cpz_h, cpz)
    pltpu.sync_copy(cb_h, cb)
    pltpu.sync_copy(fpx_h.at[pl.ds(base, PW)], fpx)
    pltpu.sync_copy(fpy_h.at[pl.ds(base, PW)], fpy)
    pltpu.sync_copy(fpz_h.at[pl.ds(base, PW)], fpz)
    pltpu.sync_copy(fb_h.at[pl.ds(base, PW)], fb)
    pltpu.sync_copy(lo_h, lov)
    pltpu.sync_copy(hi_h, hiv)

    inf_v = jnp.full((L,), jnp.inf, jnp.float32)
    zero_i = jnp.zeros((L,), jnp.int32)
    zero_f = jnp.zeros((L,), jnp.float32)
    big_v = jnp.full((L,), BIG, jnp.float32)

    def splat(ref, i):
        return plsc.load_gather(ref, [jnp.full((L,), i, jnp.int32)])

    @pl.loop(0, NP // L)
    def _c2i(i):
        sl = pl.ds(i * L, L)
        xv = cpx[sl]
        yv = cpy[sl]
        zv = cpz[sl]
        c2[sl] = xv * xv + yv * yv + zv * zv

    @pl.loop(0, NG)
    def _grp(g):
        gbase = g * L
        fx = fpx[pl.ds(gbase, L)]
        fy = fpy[pl.ds(gbase, L)]
        fz = fpz[pl.ds(gbase, L)]
        fx2 = fx * 2.0
        fy2 = fy * 2.0
        fz2 = fz * 2.0
        fbv = fb[pl.ds(gbase, L)]
        lo = plsc.load_gather(lov, [fbv])[0]
        hi = plsc.load_gather(hiv, [fbv])[L - 1]

        def insert(carry, key, civ):
            k0, k1, k2, i0, i1, i2 = carry
            lt2 = key < k2
            lt1 = key < k1
            lt0 = key < k0
            k2, i2 = (jnp.where(lt1, k1, jnp.where(lt2, key, k2)),
                      jnp.where(lt1, i1, jnp.where(lt2, civ, i2)))
            k1, i1 = (jnp.where(lt0, k0, jnp.where(lt1, key, k1)),
                      jnp.where(lt0, i0, jnp.where(lt1, civ, i1)))
            k0, i0 = (jnp.where(lt0, key, k0),
                      jnp.where(lt0, civ, i0))
            return k0, k1, k2, i0, i1, i2

        def raw_key(c):
            return splat(c2, c) - (fx2 * splat(cpx, c) +
                                   fy2 * splat(cpy, c) +
                                   fz2 * splat(cpz, c))

        init = (inf_v, inf_v, inf_v, zero_i, zero_i, zero_i)
        same_batch = fbv[0] == fbv[L - 1]

        def fast_scan(_):
            nb = (hi - lo) // CU

            def scan_body(it, carry):
                cb0 = lo + it * CU
                for j in range(CU):
                    c = cb0 + j
                    carry = insert(carry, raw_key(c),
                                   jnp.full((L,), c, jnp.int32))
                return carry

            mid = lax.fori_loop(0, nb, scan_body, init)

            def tail_body(c, carry):
                return insert(carry, raw_key(c), jnp.full((L,), c, jnp.int32))

            return lax.fori_loop(lo + nb * CU, hi, tail_body, mid)

        def masked_scan(_):
            nb = (hi - lo + (CU - 1)) // CU

            def scan_body(it, carry):
                cb0 = lo + it * CU
                for j in range(CU):
                    c = cb0 + j
                    key = raw_key(c) + jnp.where(fbv == splat(cb, c),
                                                 zero_f, big_v)
                    carry = insert(carry, key, jnp.full((L,), c, jnp.int32))
                return carry

            return lax.fori_loop(0, nb, scan_body, init)

        _, _, _, i0, i1, i2 = lax.cond(same_batch, fast_scan, masked_scan,
                                       operand=None)

        def inv_d2(ij):
            gx = plsc.load_gather(cpx, [ij])
            gy = plsc.load_gather(cpy, [ij])
            gz = plsc.load_gather(cpz, [ij])
            dx = fx - gx
            dy = fy - gy
            dz = fz - gz
            d2 = dx * dx + dy * dy + dz * dz
            return 1.0 / jnp.maximum(d2, 1e-16)

        w0 = inv_d2(i0)
        w1 = inv_d2(i1)
        w2 = inv_d2(i2)
        ws = w0 + w1 + w2
        i0b[pl.ds(gbase, L)] = i0
        i1b[pl.ds(gbase, L)] = i1
        i2b[pl.ds(gbase, L)] = i2
        w0b[pl.ds(gbase, L)] = w0 / ws
        w1b[pl.ds(gbase, L)] = w1 / ws
        w2b[pl.ds(gbase, L)] = w2 / ws

    @pl.loop(0, NCH)
    def _chunk(cidx):
        s = cidx * CH
        cp0 = pltpu.async_copy(xtab_h.at[i0b.at[pl.ds(s, CH)]], r0a, sga)
        cp1 = pltpu.async_copy(xtab_h.at[i1b.at[pl.ds(s, CH)]], r1a, sga)
        cp2 = pltpu.async_copy(xtab_h.at[i2b.at[pl.ds(s, CH)]], r2a, sga)
        cp0.wait()
        cp1.wait()
        cp2.wait()

        @pl.loop(0, CH)
        def _pt(p):
            w0s = splat(w0b, s + p)
            w1s = splat(w1b, s + p)
            w2s = splat(w2b, s + p)
            for t in range(D_IN // L):
                sl = pl.ds(t * L, L)
                oba[p, sl] = (w0s * r0a[p, sl] + w1s * r1a[p, sl]
                              + w2s * r2a[p, sl])

        pltpu.sync_copy(oba, y_h.at[pl.ds(base + s, CH)])


_sc_mesh = plsc.VectorSubcoreMesh(
    core_axis_name="c", subcore_axis_name="s", num_cores=NC, num_subcores=NS)

_sc_interp = functools.partial(
    pl.kernel,
    out_type=jax.ShapeDtypeStruct((M, D_IN), jnp.float32),
    mesh=_sc_mesh,
    scratch_types=[
        pltpu.VMEM((NP,), jnp.float32),
        pltpu.VMEM((NP,), jnp.float32),
        pltpu.VMEM((NP,), jnp.float32),
        pltpu.VMEM((NP,), jnp.int32),
        pltpu.VMEM((NP,), jnp.float32),
        pltpu.VMEM((PW,), jnp.float32),
        pltpu.VMEM((PW,), jnp.float32),
        pltpu.VMEM((PW,), jnp.float32),
        pltpu.VMEM((PW,), jnp.int32),
        pltpu.VMEM((128,), jnp.int32),
        pltpu.VMEM((128,), jnp.int32),
        pltpu.VMEM((PW,), jnp.int32),
        pltpu.VMEM((PW,), jnp.int32),
        pltpu.VMEM((PW,), jnp.int32),
        pltpu.VMEM((PW,), jnp.float32),
        pltpu.VMEM((PW,), jnp.float32),
        pltpu.VMEM((PW,), jnp.float32),
        pltpu.VMEM((CH, D_IN), jnp.float32),
        pltpu.VMEM((CH, D_IN), jnp.float32),
        pltpu.VMEM((CH, D_IN), jnp.float32),
        pltpu.VMEM((CH, D_IN), jnp.float32),
        pltpu.SemaphoreType.DMA,
    ],
    compiler_params=pltpu.CompilerParams(needs_layout_passes=False),
)(_sc_body)


BM = 2048


def _mlp_body(y_ref, xs_ref, w1_ref, b1_ref, w2_ref, b2_ref, o_ref):
    h = jnp.dot(y_ref[...], w1_ref[0:D_IN, :],
                preferred_element_type=jnp.float32)
    h = h + jnp.dot(xs_ref[...], w1_ref[D_IN:D_IN + D_SK, :],
                    preferred_element_type=jnp.float32)
    h = jnp.maximum(h + b1_ref[...], 0.0)
    o_ref[...] = jnp.dot(h, w2_ref[...],
                         preferred_element_type=jnp.float32) + b2_ref[...]


def _mlp(y, x_skip, W1, b1, W2, b2):
    grid = (M // BM,)
    return pl.pallas_call(
        _mlp_body,
        grid=grid,
        in_specs=[
            pl.BlockSpec((BM, D_IN), lambda i: (i, 0)),
            pl.BlockSpec((BM, D_SK), lambda i: (i, 0)),
            pl.BlockSpec((D_IN + D_SK, D_H), lambda i: (0, 0)),
            pl.BlockSpec((1, D_H), lambda i: (0, 0)),
            pl.BlockSpec((D_H, D_OUT), lambda i: (0, 0)),
            pl.BlockSpec((1, D_OUT), lambda i: (0, 0)),
        ],
        out_specs=pl.BlockSpec((BM, D_OUT), lambda i: (i, 0)),
        out_shape=jax.ShapeDtypeStruct((M, D_OUT), jnp.float32),
    )(y, x_skip, W1, b1, W2, b2)


def kernel(x, pos, batch, x_skip, pos_skip, batch_skip, W1, b1, W2, b2):
    batch_i = batch.astype(jnp.int32)
    batch_skip_i = batch_skip.astype(jnp.int32)
    ids = jnp.arange(B, dtype=jnp.int32)
    seg_lo = jnp.zeros((128,), jnp.int32).at[:B].set(
        jnp.searchsorted(batch_i, ids, side="left").astype(jnp.int32))
    seg_hi = jnp.zeros((128,), jnp.int32).at[:B].set(
        jnp.searchsorted(batch_i, ids, side="right").astype(jnp.int32))
    cp = jnp.pad(pos.T, ((0, 0), (0, NP - N)), constant_values=1e5)
    fp = pos_skip.T
    batch_p = jnp.pad(batch_i, (0, NP - N), constant_values=-1)

    y = _sc_interp(cp[0], cp[1], cp[2], batch_p,
                   fp[0], fp[1], fp[2], batch_skip_i,
                   seg_lo, seg_hi, x)

    out = _mlp(y, x_skip, W1, b1.reshape(1, D_H), W2, b2.reshape(1, D_OUT))
    return (out, pos_skip, batch_skip)

# --- scband reference (transcript-rebuilt; emitter-appended) ---
"""Pipeline reference for scband-feature-propagation-2989297238647 (READ-ONLY COPY).

The authoritative reference and input builder live on the scoring server;
editing this copy changes nothing except your own understanding.
"""

import jax, jax.numpy as jnp
import numpy as np

K = 3

def setup_inputs(seed: int = 0) -> dict:
    key = jax.random.key(seed)
    ks = jax.random.split(key, 10)
    N, M, d_in, d_skip, B = 4096, 16384, 128, 64, 8
    x = jax.random.normal(ks[0], (N, d_in), dtype=jnp.float32)
    pos = jax.random.normal(ks[1], (N, 3), dtype=jnp.float32)
    batch = jnp.sort(jax.random.randint(ks[2], (N,), 0, B)).astype(jnp.int64)
    x_skip = jax.random.normal(ks[3], (M, d_skip), dtype=jnp.float32)
    pos_skip = jax.random.normal(ks[4], (M, 3), dtype=jnp.float32)
    batch_skip = jnp.sort(jax.random.randint(ks[5], (M,), 0, B)).astype(jnp.int64)
    # MLP params per init_kwargs mlp=[192, 256, 128] (PyG gnn.MLP channel list)
    W1 = jax.random.normal(ks[6], (d_in + d_skip, 256), dtype=jnp.float32) * 0.05
    b1 = jnp.zeros((256,), dtype=jnp.float32)
    W2 = jax.random.normal(ks[7], (256, 128), dtype=jnp.float32) * 0.05
    b2 = jnp.zeros((128,), dtype=jnp.float32)
    return {"x": x, "pos": pos, "batch": batch, "x_skip": x_skip,
            "pos_skip": pos_skip, "batch_skip": batch_skip,
            "W1": W1, "b1": b1, "W2": W2, "b2": b2}


def knn_interpolate(x, pos, pos_skip, batch, batch_skip, k):
    # pairwise squared distances between fine (pos_skip) and coarse (pos) points,
    # masked so neighbors are restricted to the same batch element (as in PyG knn)
    diff = pos_skip[:, None, :] - pos[None, :, :]          # [M, N, 3]
    d2 = jnp.sum(diff * diff, axis=-1)                     # [M, N]
    mask = (batch_skip[:, None] != batch[None, :]).astype(jnp.float32) * 1e10
    d2m = jax.lax.stop_gradient(d2 + mask)
    _, idx = jax.lax.top_k(-d2m, k)                        # [M, k] nearest coarse indices
    gathered_pos = pos[idx]                                # [M, k, 3]
    d2k = jnp.sum((gathered_pos - pos_skip[:, None, :]) ** 2, axis=-1)  # [M, k]
    w = 1.0 / jnp.clip(d2k, 1e-16, None)                   # inverse-squared-distance weights
    feats = x[idx]                                         # [M, k, d]
    y = jnp.sum(feats * w[..., None], axis=1) / jnp.sum(w, axis=1, keepdims=True)
    return y


def reference(x, pos, batch, x_skip, pos_skip, batch_skip, W1, b1, W2, b2):
    y = knn_interpolate(x, pos, pos_skip, batch, batch_skip, K)
    h = jnp.concatenate([y, x_skip], axis=1)               # skip connection concat
    h = jax.nn.relu(h @ W1 + b1)                           # MLP layer 1
    h = h @ W2 + b2                                        # MLP layer 2 (plain last)
    return (h, pos_skip, batch_skip)

if __name__ == "__main__":
    import jax
    _d = setup_inputs()
    print(jax.jit(kernel)(*tuple(_d.values())))

</pallas_src>

<mosaic_0001>
#map = affine_map<(d0, d1) -> (0)>
#map1 = affine_map<(d0, d1) -> (0, 0)>
module attributes {stable_mosaic.version = 14 : i64} {
  func.func @_sc_body(%arg0: i32, %arg1: i32, %arg2: memref<4104xf32, #tpu.memory_space<hbm>>, %arg3: memref<4104xf32, #tpu.memory_space<hbm>>, %arg4: memref<4104xf32, #tpu.memory_space<hbm>>, %arg5: memref<4104xi32, #tpu.memory_space<hbm>>, %arg6: memref<16384xf32, #tpu.memory_space<hbm>>, %arg7: memref<16384xf32, #tpu.memory_space<hbm>>, %arg8: memref<16384xf32, #tpu.memory_space<hbm>>, %arg9: memref<16384xi32, #tpu.memory_space<hbm>>, %arg10: memref<128xi32, #tpu.memory_space<hbm>>, %arg11: memref<128xi32, #tpu.memory_space<hbm>>, %arg12: memref<4096x128xf32, #tpu.memory_space<hbm>>, %arg13: memref<16384x128xf32, #tpu.memory_space<hbm>>, %arg14: memref<4104xf32, #tpu.memory_space<vmem>>, %arg15: memref<4104xf32, #tpu.memory_space<vmem>>, %arg16: memref<4104xf32, #tpu.memory_space<vmem>>, %arg17: memref<4104xi32, #tpu.memory_space<vmem>>, %arg18: memref<4104xf32, #tpu.memory_space<vmem>>, %arg19: memref<512xf32, #tpu.memory_space<vmem>>, %arg20: memref<512xf32, #tpu.memory_space<vmem>>, %arg21: memref<512xf32, #tpu.memory_space<vmem>>, %arg22: memref<512xi32, #tpu.memory_space<vmem>>, %arg23: memref<128xi32, #tpu.memory_space<vmem>>, %arg24: memref<128xi32, #tpu.memory_space<vmem>>, %arg25: memref<512xi32, #tpu.memory_space<vmem>>, %arg26: memref<512xi32, #tpu.memory_space<vmem>>, %arg27: memref<512xi32, #tpu.memory_space<vmem>>, %arg28: memref<512xf32, #tpu.memory_space<vmem>>, %arg29: memref<512xf32, #tpu.memory_space<vmem>>, %arg30: memref<512xf32, #tpu.memory_space<vmem>>, %arg31: memref<64x128xf32, #tpu.memory_space<vmem>>, %arg32: memref<64x128xf32, #tpu.memory_space<vmem>>, %arg33: memref<64x128xf32, #tpu.memory_space<vmem>>, %arg34: memref<64x128xf32, #tpu.memory_space<vmem>>, %arg35: memref<!tpu.dma_semaphore, #tpu.memory_space<semaphore_mem>>) attributes {dimension_semantics = [#tpu.dimension_semantics<core_parallel>, #tpu.dimension_semantics<subcore_parallel>], iteration_bounds = array<i64: 2, 16>, scalar_prefetch = 0 : i64, scratch_operands = 22 : i64, tpu.core_type = #tpu.core_type<sc_vector_subcore>, window_params = [{transform_indices = #map}, {transform_indices = #map}, {transform_indices = #map}, {transform_indices = #map}, {transform_indices = #map}, {transform_indices = #map}, {transform_indices = #map}, {transform_indices = #map}, {transform_indices = #map}, {transform_indices = #map}, {transform_indices = #map1}, {transform_indices = #map1}]} {
    %mul3A = arith.constant 2 : i32
    %mul3A_0 = arith.muli %arg1, %mul3A : i32
    %add3A = arith.addi %mul3A_0, %arg0 : i32
    %mul3A_1 = arith.constant 512 : i32
    %mul3A_2 = arith.muli %add3A, %mul3A_1 : i32
    "tpu.region"() ({
      %run_scoped3A = tpu.sem_alloc : memref<!tpu.dma_semaphore, #tpu.memory_space<semaphore_mem>>
      tpu.enqueue_dma source(%arg2 : memref<4104xf32, #tpu.memory_space<hbm>>) target(%arg14 : memref<4104xf32, #tpu.memory_space<vmem>>) target_semaphore(%run_scoped3A : memref<!tpu.dma_semaphore, #tpu.memory_space<semaphore_mem>>)
      tpu.wait_dma2 semaphore(%run_scoped3A : memref<!tpu.dma_semaphore, #tpu.memory_space<semaphore_mem>>) src(%arg2 : memref<4104xf32, #tpu.memory_space<hbm>>) dst(%arg14 : memref<4104xf32, #tpu.memory_space<vmem>>)
      tpu.yield
    }) : () -> ()
    "tpu.region"() ({
      %run_scoped3A = tpu.sem_alloc : memref<!tpu.dma_semaphore, #tpu.memory_space<semaphore_mem>>
      tpu.enqueue_dma source(%arg3 : memref<4104xf32, #tpu.memory_space<hbm>>) target(%arg15 : memref<4104xf32, #tpu.memory_space<vmem>>) target_semaphore(%run_scoped3A : memref<!tpu.dma_semaphore, #tpu.memory_space<semaphore_mem>>)
      tpu.wait_dma2 semaphore(%run_scoped3A : memref<!tpu.dma_semaphore, #tpu.memory_space<semaphore_mem>>) src(%arg3 : memref<4104xf32, #tpu.memory_space<hbm>>) dst(%arg15 : memref<4104xf32, #tpu.memory_space<vmem>>)
      tpu.yield
    }) : () -> ()
    "tpu.region"() ({
      %run_scoped3A = tpu.sem_alloc : memref<!tpu.dma_semaphore, #tpu.memory_space<semaphore_mem>>
      tpu.enqueue_dma source(%arg4 : memref<4104xf32, #tpu.memory_space<hbm>>) target(%arg16 : memref<4104xf32, #tpu.memory_space<vmem>>) target_semaphore(%run_scoped3A : memref<!tpu.dma_semaphore, #tpu.memory_space<semaphore_mem>>)
      tpu.wait_dma2 semaphore(%run_scoped3A : memref<!tpu.dma_semaphore, #tpu.memory_space<semaphore_mem>>) src(%arg4 : memref<4104xf32, #tpu.memory_space<hbm>>) dst(%arg16 : memref<4104xf32, #tpu.memory_space<vmem>>)
      tpu.yield
    }) : () -> ()
    "tpu.region"() ({
      %run_scoped3A = tpu.sem_alloc : memref<!tpu.dma_semaphore, #tpu.memory_space<semaphore_mem>>
      tpu.enqueue_dma source(%arg5 : memref<4104xi32, #tpu.memory_space<hbm>>) target(%arg17 : memref<4104xi32, #tpu.memory_space<vmem>>) target_semaphore(%run_scoped3A : memref<!tpu.dma_semaphore, #tpu.memory_space<semaphore_mem>>)
      tpu.wait_dma2 semaphore(%run_scoped3A : memref<!tpu.dma_semaphore, #tpu.memory_space<semaphore_mem>>) src(%arg5 : memref<4104xi32, #tpu.memory_space<hbm>>) dst(%arg17 : memref<4104xi32, #tpu.memory_space<vmem>>)
      tpu.yield
    }) : () -> ()
    "tpu.region"() ({
      %run_scoped3A = tpu.sem_alloc : memref<!tpu.dma_semaphore, #tpu.memory_space<semaphore_mem>>
      %dma_start3A = tpu.memref_slice %arg6[%mul3A_2] : memref<16384xf32, #tpu.memory_space<hbm>> -> memref<512xf32, #tpu.memory_space<hbm>>
      %dma_start3A_24 = tpu.memref_slice %arg6[%mul3A_2] : memref<16384xf32, #tpu.memory_space<hbm>> -> memref<512xf32, #tpu.memory_space<hbm>>
      tpu.enqueue_dma source(%dma_start3A_24 : memref<512xf32, #tpu.memory_space<hbm>>) target(%arg19 : memref<512xf32, #tpu.memory_space<vmem>>) target_semaphore(%run_scoped3A : memref<!tpu.dma_semaphore, #tpu.memory_space<semaphore_mem>>)
      %dma_wait3A = tpu.memref_slice %arg6[%mul3A_2] : memref<16384xf32, #tpu.memory_space<hbm>> -> memref<512xf32, #tpu.memory_space<hbm>>
      %dma_wait3A_25 = tpu.memref_slice %arg6[%mul3A_2] : memref<16384xf32, #tpu.memory_space<hbm>> -> memref<512xf32, #tpu.memory_space<hbm>>
      tpu.wait_dma2 semaphore(%run_scoped3A : memref<!tpu.dma_semaphore, #tpu.memory_space<semaphore_mem>>) src(%dma_wait3A_25 : memref<512xf32, #tpu.memory_space<hbm>>) dst(%arg19 : memref<512xf32, #tpu.memory_space<vmem>>)
      tpu.yield
    }) : () -> ()
    "tpu.region"() ({
      %run_scoped3A = tpu.sem_alloc : memref<!tpu.dma_semaphore, #tpu.memory_space<semaphore_mem>>
      %dma_start3A = tpu.memref_slice %arg7[%mul3A_2] : memref<16384xf32, #tpu.memory_space<hbm>> -> memref<512xf32, #tpu.memory_space<hbm>>
      %dma_start3A_24 = tpu.memref_slice %arg7[%mul3A_2] : memref<16384xf32, #tpu.memory_space<hbm>> -> memref<512xf32, #tpu.memory_space<hbm>>
      tpu.enqueue_dma source(%dma_start3A_24 : memref<512xf32, #tpu.memory_space<hbm>>) target(%arg20 : memref<512xf32, #tpu.memory_space<vmem>>) target_semaphore(%run_scoped3A : memref<!tpu.dma_semaphore, #tpu.memory_space<semaphore_mem>>)
      %dma_wait3A = tpu.memref_slice %arg7[%mul3A_2] : memref<16384xf32, #tpu.memory_space<hbm>> -> memref<512xf32, #tpu.memory_space<hbm>>
      %dma_wait3A_25 = tpu.memref_slice %arg7[%mul3A_2] : memref<16384xf32, #tpu.memory_space<hbm>> -> memref<512xf32, #tpu.memory_space<hbm>>
      tpu.wait_dma2 semaphore(%run_scoped3A : memref<!tpu.dma_semaphore, #tpu.memory_space<semaphore_mem>>) src(%dma_wait3A_25 : memref<512xf32, #tpu.memory_space<hbm>>) dst(%arg20 : memref<512xf32, #tpu.memory_space<vmem>>)
      tpu.yield
    }) : () -> ()
    "tpu.region"() ({
      %run_scoped3A = tpu.sem_alloc : memref<!tpu.dma_semaphore, #tpu.memory_space<semaphore_mem>>
      %dma_start3A = tpu.memref_slice %arg8[%mul3A_2] : memref<16384xf32, #tpu.memory_space<hbm>> -> memref<512xf32, #tpu.memory_space<hbm>>
      %dma_start3A_24 = tpu.memref_slice %arg8[%mul3A_2] : memref<16384xf32, #tpu.memory_space<hbm>> -> memref<512xf32, #tpu.memory_space<hbm>>
      tpu.enqueue_dma source(%dma_start3A_24 : memref<512xf32, #tpu.memory_space<hbm>>) target(%arg21 : memref<512xf32, #tpu.memory_space<vmem>>) target_semaphore(%run_scoped3A : memref<!tpu.dma_semaphore, #tpu.memory_space<semaphore_mem>>)
      %dma_wait3A = tpu.memref_slice %arg8[%mul3A_2] : memref<16384xf32, #tpu.memory_space<hbm>> -> memref<512xf32, #tpu.memory_space<hbm>>
      %dma_wait3A_25 = tpu.memref_slice %arg8[%mul3A_2] : memref<16384xf32, #tpu.memory_space<hbm>> -> memref<512xf32, #tpu.memory_space<hbm>>
      tpu.wait_dma2 semaphore(%run_scoped3A : memref<!tpu.dma_semaphore, #tpu.memory_space<semaphore_mem>>) src(%dma_wait3A_25 : memref<512xf32, #tpu.memory_space<hbm>>) dst(%arg21 : memref<512xf32, #tpu.memory_space<vmem>>)
      tpu.yield
    }) : () -> ()
    "tpu.region"() ({
      %run_scoped3A = tpu.sem_alloc : memref<!tpu.dma_semaphore, #tpu.memory_space<semaphore_mem>>
      %dma_start3A = tpu.memref_slice %arg9[%mul3A_2] : memref<16384xi32, #tpu.memory_space<hbm>> -> memref<512xi32, #tpu.memory_space<hbm>>
      %dma_start3A_24 = tpu.memref_slice %arg9[%mul3A_2] : memref<16384xi32, #tpu.memory_space<hbm>> -> memref<512xi32, #tpu.memory_space<hbm>>
      tpu.enqueue_dma source(%dma_start3A_24 : memref<512xi32, #tpu.memory_space<hbm>>) target(%arg22 : memref<512xi32, #tpu.memory_space<vmem>>) target_semaphore(%run_scoped3A : memref<!tpu.dma_semaphore, #tpu.memory_space<semaphore_mem>>)
      %dma_wait3A = tpu.memref_slice %arg9[%mul3A_2] : memref<16384xi32, #tpu.memory_space<hbm>> -> memref<512xi32, #tpu.memory_space<hbm>>
      %dma_wait3A_25 = tpu.memref_slice %arg9[%mul3A_2] : memref<16384xi32, #tpu.memory_space<hbm>> -> memref<512xi32, #tpu.memory_space<hbm>>
      tpu.wait_dma2 semaphore(%run_scoped3A : memref<!tpu.dma_semaphore, #tpu.memory_space<semaphore_mem>>) src(%dma_wait3A_25 : memref<512xi32, #tpu.memory_space<hbm>>) dst(%arg22 : memref<512xi32, #tpu.memory_space<vmem>>)
      tpu.yield
    }) : () -> ()
    "tpu.region"() ({
      %run_scoped3A = tpu.sem_alloc : memref<!tpu.dma_semaphore, #tpu.memory_space<semaphore_mem>>
      tpu.enqueue_dma source(%arg10 : memref<128xi32, #tpu.memory_space<hbm>>) target(%arg23 : memref<128xi32, #tpu.memory_space<vmem>>) target_semaphore(%run_scoped3A : memref<!tpu.dma_semaphore, #tpu.memory_space<semaphore_mem>>)
      tpu.wait_dma2 semaphore(%run_scoped3A : memref<!tpu.dma_semaphore, #tpu.memory_space<semaphore_mem>>) src(%arg10 : memref<128xi32, #tpu.memory_space<hbm>>) dst(%arg23 : memref<128xi32, #tpu.memory_space<vmem>>)
      tpu.yield
    }) : () -> ()
    "tpu.region"() ({
      %run_scoped3A = tpu.sem_alloc : memref<!tpu.dma_semaphore, #tpu.memory_space<semaphore_mem>>
      tpu.enqueue_dma source(%arg11 : memref<128xi32, #tpu.memory_space<hbm>>) target(%arg24 : memref<128xi32, #tpu.memory_space<vmem>>) target_semaphore(%run_scoped3A : memref<!tpu.dma_semaphore, #tpu.memory_space<semaphore_mem>>)
      tpu.wait_dma2 semaphore(%run_scoped3A : memref<!tpu.dma_semaphore, #tpu.memory_space<semaphore_mem>>) src(%arg11 : memref<128xi32, #tpu.memory_space<hbm>>) dst(%arg24 : memref<128xi32, #tpu.memory_space<vmem>>)
      tpu.yield
    }) : () -> ()
    %broadcast_in_dim3A = arith.constant 0x7F800000 : f32
    %broadcast_in_dim3A_3 = vector.broadcast %broadcast_in_dim3A : f32 to vector<16xf32>
    %broadcast_in_dim3A_4 = arith.constant 0 : i32
    %broadcast_in_dim3A_5 = vector.broadcast %broadcast_in_dim3A_4 : i32 to vector<16xi32>
    %broadcast_in_dim3A_6 = arith.constant 0.000000e+00 : f32
    %broadcast_in_dim3A_7 = vector.broadcast %broadcast_in_dim3A_6 : f32 to vector<16xf32>
    %broadcast_in_dim3A_8 = arith.constant 1.000000e+10 : f32
    %broadcast_in_dim3A_9 = vector.broadcast %broadcast_in_dim3A_8 : f32 to vector<16xf32>
    %scan3A = arith.constant 0 : i32
    %scan3A_10 = arith.constant 256 : i32
    %scan3A_11 = arith.addi %scan3A, %scan3A_10 : i32
    %scan3A_12 = arith.constant 1 : i32
    scf.for %scan3A_24 = %scan3A to %scan3A_11 step %scan3A_12  : i32 {
      %mul3A_25 = arith.constant 1 : i32
      %mul3A_26 = arith.muli %scan3A_24, %mul3A_25 : i32
      %add3A_27 = arith.constant 0 : i32
      %add3A_28 = arith.addi %add3A_27, %mul3A_26 : i32
      %mul3A_29 = arith.constant 16 : i32
      %mul3A_30 = arith.muli %add3A_28, %mul3A_29 : i32
      %get3A = arith.index_cast %mul3A_30 : i32 to index
      %get3A_31 = tpu.vector_load %arg14[%get3A] {strides = array<i32>} : memref<4104xf32, #tpu.memory_space<vmem>>, vector<16xf32>,
      %get3A_32 = arith.index_cast %mul3A_30 : i32 to index
      %get3A_33 = tpu.vector_load %arg15[%get3A_32] {strides = array<i32>} : memref<4104xf32, #tpu.memory_space<vmem>>, vector<16xf32>,
      %get3A_34 = arith.index_cast %mul3A_30 : i32 to index
      %get3A_35 = tpu.vector_load %arg16[%get3A_34] {strides = array<i32>} : memref<4104xf32, #tpu.memory_space<vmem>>, vector<16xf32>,
      %mul3A_36 = arith.mulf %get3A_31, %get3A_31 : vector<16xf32>
      %mul3A_37 = arith.mulf %get3A_33, %get3A_33 : vector<16xf32>
      %add3A_38 = arith.addf %mul3A_36, %mul3A_37 : vector<16xf32>
      %mul3A_39 = arith.mulf %get3A_35, %get3A_35 : vector<16xf32>
      %add3A_40 = arith.addf %add3A_38, %mul3A_39 : vector<16xf32>
      %swap3A = arith.index_cast %mul3A_30 : i32 to index
      %swap3A_41 = tpu.vector_load %arg18[%swap3A] {strides = array<i32>} : memref<4104xf32, #tpu.memory_space<vmem>>, vector<16xf32>,
      tpu.vector_store %arg18[%swap3A], %add3A_40 {strides = array<i32>} : memref<4104xf32, #tpu.memory_space<vmem>>, vector<16xf32>,
    }
    %scan3A_13 = arith.constant 256 : i32
    %scan3A_14 = arith.constant 0 : i32
    %scan3A_15 = arith.constant 32 : i32
    %scan3A_16 = arith.addi %scan3A_14, %scan3A_15 : i32
    %scan3A_17 = arith.constant 1 : i32
    scf.for %scan3A_24 = %scan3A_14 to %scan3A_16 step %scan3A_17  : i32 {
      %mul3A_25 = arith.constant 1 : i32
      %mul3A_26 = arith.muli %scan3A_24, %mul3A_25 : i32
      %add3A_27 = arith.constant 0 : i32
      %add3A_28 = arith.addi %add3A_27, %mul3A_26 : i32
      %mul3A_29 = arith.constant 16 : i32
      %mul3A_30 = arith.muli %add3A_28, %mul3A_29 : i32
      %get3A = arith.index_cast %mul3A_30 : i32 to index
      %get3A_31 = tpu.vector_load %arg19[%get3A] {strides = array<i32>} : memref<512xf32, #tpu.memory_space<vmem>>, vector<16xf32>,
      %get3A_32 = arith.index_cast %mul3A_30 : i32 to index
      %get3A_33 = tpu.vector_load %arg20[%get3A_32] {strides = array<i32>} : memref<512xf32, #tpu.memory_space<vmem>>, vector<16xf32>,
      %get3A_34 = arith.index_cast %mul3A_30 : i32 to index
      %get3A_35 = tpu.vector_load %arg21[%get3A_34] {strides = array<i32>} : memref<512xf32, #tpu.memory_space<vmem>>, vector<16xf32>,
      %mul3A_36 = arith.constant 2.000000e+00 : f32
      %mul3A_37 = vector.broadcast %mul3A_36 : f32 to vector<16xf32>
      %mul3A_38 = arith.mulf %get3A_31, %mul3A_37 : vector<16xf32>
      %mul3A_39 = arith.constant 2.000000e+00 : f32
      %mul3A_40 = vector.broadcast %mul3A_39 : f32 to vector<16xf32>
      %mul3A_41 = arith.mulf %get3A_33, %mul3A_40 : vector<16xf32>
      %mul3A_42 = arith.constant 2.000000e+00 : f32
      %mul3A_43 = vector.broadcast %mul3A_42 : f32 to vector<16xf32>
      %mul3A_44 = arith.mulf %get3A_35, %mul3A_43 : vector<16xf32>
      %get3A_45 = arith.index_cast %mul3A_30 : i32 to index
      %get3A_46 = tpu.vector_load %arg22[%get3A_45] {strides = array<i32>} : memref<512xi32, #tpu.memory_space<vmem>>, vector<16xi32>,
      %gather3A = tpu.vector_load_idx %arg23[%get3A_46] : memref<128xi32, #tpu.memory_space<vmem>>[vector<16xi32>], vector<16xi32>,
      %slice3A = vector.extract_strided_slice %gather3A {offsets = [0], sizes = [1], strides = [1]} : vector<16xi32> to vector<1xi32>
      %squeeze3A = vector.extract %slice3A[0] : i32 from vector<1xi32>
      %gather3A_47 = tpu.vector_load_idx %arg24[%get3A_46] : memref<128xi32, #tpu.memory_space<vmem>>[vector<16xi32>], vector<16xi32>,
      %slice3A_48 = vector.extract_strided_slice %gather3A_47 {offsets = [15], sizes = [1], strides = [1]} : vector<16xi32> to vector<1xi32>
      %squeeze3A_49 = vector.extract %slice3A_48[0] : i32 from vector<1xi32>
      %slice3A_50 = vector.extract_strided_slice %get3A_46 {offsets = [0], sizes = [1], strides = [1]} : vector<16xi32> to vector<1xi32>
      %squeeze3A_51 = vector.extract %slice3A_50[0] : i32 from vector<1xi32>
      %slice3A_52 = vector.extract_strided_slice %get3A_46 {offsets = [15], sizes = [1], strides = [1]} : vector<16xi32> to vector<1xi32>
      %squeeze3A_53 = vector.extract %slice3A_52[0] : i32 from vector<1xi32>
      %eq3A = arith.cmpi eq, %squeeze3A_51, %squeeze3A_53 : i32
      %convert_element_type3A = arith.extui %eq3A : i1 to i32
      %cond3A = arith.constant 0 : i32
      %cond3A_54 = arith.cmpi ne, %convert_element_type3A, %cond3A : i32
      %cond3A_55:6 = scf.if %cond3A_54 -> (vector<16xf32>, vector<16xf32>, vector<16xf32>, vector<16xi32>, vector<16xi32>, vector<16xi32>) {
        %sub3A_120 = arith.subi %squeeze3A_49, %squeeze3A : i32
        %jit3A = arith.constant 4 : i32
        %div3A_121 = arith.divsi %sub3A_120, %jit3A : i32
        %sign3A = arith.constant 0 : i32
        %sign3A_122 = arith.cmpi sgt, %sub3A_120, %sign3A : i32
        %sign3A_123 = arith.extui %sign3A_122 : i1 to i32
        %sign3A_124 = arith.constant 0 : i32
        %sign3A_125 = arith.cmpi slt, %sub3A_120, %sign3A_124 : i32
        %sign3A_126 = arith.extui %sign3A_125 : i1 to i32
        %sign3A_127 = arith.subi %sign3A_123, %sign3A_126 : i32
        %sign3A_128 = arith.constant 0 : i32
        %sign3A_129 = arith.cmpi sgt, %jit3A, %sign3A_128 : i32
        %sign3A_130 = arith.extui %sign3A_129 : i1 to i32
        %sign3A_131 = arith.constant 0 : i32
        %sign3A_132 = arith.cmpi slt, %jit3A, %sign3A_131 : i32
        %sign3A_133 = arith.extui %sign3A_132 : i1 to i32
        %sign3A_134 = arith.subi %sign3A_130, %sign3A_133 : i32
        %ne3A = arith.cmpi ne, %sign3A_127, %sign3A_134 : i32
        %rem3A = arith.remsi %sub3A_120, %jit3A : i32
        %ne3A_135 = arith.constant 0 : i32
        %ne3A_136 = arith.cmpi ne, %rem3A, %ne3A_135 : i32
        %and3A = arith.andi %ne3A, %ne3A_136 : i1
        %sub3A_137 = arith.constant 1 : i32
        %sub3A_138 = arith.subi %div3A_121, %sub3A_137 : i32
        %select_n3A = arith.select %and3A, %sub3A_138, %div3A_121 : i32
        %while3A = arith.constant 0 : i32
        %while3A_139 = arith.subi %select_n3A, %while3A : i32
        %while3A_140 = arith.addi %while3A, %while3A_139 : i32
        %while3A_141 = arith.constant 1 : i32
        %while3A_142 = arith.divsi %while3A_139, %while3A_141 : i32
        %while3A_143 = arith.muli %while3A_142, %while3A_141 : i32
        %while3A_144 = arith.addi %while3A, %while3A_143 : i32
        %while3A_145 = arith.constant 1 : i32
        %while3A_146:6 = scf.for %while3A_162 = %while3A to %while3A_144 step %while3A_145 iter_args(%while3A_163 = %broadcast_in_dim3A_3, %while3A_164 = %broadcast_in_dim3A_3, %while3A_165 = %broadcast_in_dim3A_3, %while3A_166 = %broadcast_in_dim3A_5, %while3A_167 = %broadcast_in_dim3A_5, %while3A_168 = %broadcast_in_dim3A_5) -> (vector<16xf32>, vector<16xf32>, vector<16xf32>, vector<16xi32>, vector<16xi32>, vector<16xi32>)  : i32 {
          %mul3A_169 = arith.constant 4 : i32
          %mul3A_170 = arith.muli %while3A_162, %mul3A_169 : i32
          %add3A_171 = arith.addi %squeeze3A, %mul3A_170 : i32
          %add3A_172 = arith.constant 0 : i32
          %add3A_173 = arith.addi %add3A_171, %add3A_172 : i32
          %broadcast_in_dim3A_174 = vector.broadcast %add3A_173 : i32 to vector<16xi32>
          %gather3A_175 = tpu.vector_load_idx %arg18[%broadcast_in_dim3A_174] : memref<4104xf32, #tpu.memory_space<vmem>>[vector<16xi32>], vector<16xf32>,
          %broadcast_in_dim3A_176 = vector.broadcast %add3A_173 : i32 to vector<16xi32>
          %gather3A_177 = tpu.vector_load_idx %arg14[%broadcast_in_dim3A_176] : memref<4104xf32, #tpu.memory_space<vmem>>[vector<16xi32>], vector<16xf32>,
          %mul3A_178 = arith.mulf %mul3A_38, %gather3A_177 : vector<16xf32>
          %broadcast_in_dim3A_179 = vector.broadcast %add3A_173 : i32 to vector<16xi32>
          %gather3A_180 = tpu.vector_load_idx %arg15[%broadcast_in_dim3A_179] : memref<4104xf32, #tpu.memory_space<vmem>>[vector<16xi32>], vector<16xf32>,
          %mul3A_181 = arith.mulf %mul3A_41, %gather3A_180 : vector<16xf32>
          %add3A_182 = arith.addf %mul3A_178, %mul3A_181 : vector<16xf32>
          %broadcast_in_dim3A_183 = vector.broadcast %add3A_173 : i32 to vector<16xi32>
          %gather3A_184 = tpu.vector_load_idx %arg16[%broadcast_in_dim3A_183] : memref<4104xf32, #tpu.memory_space<vmem>>[vector<16xi32>], vector<16xf32>,
          %mul3A_185 = arith.mulf %mul3A_44, %gather3A_184 : vector<16xf32>
          %add3A_186 = arith.addf %add3A_182, %mul3A_185 : vector<16xf32>
          %sub3A_187 = arith.subf %gather3A_175, %add3A_186 : vector<16xf32>
          %broadcast_in_dim3A_188 = vector.broadcast %add3A_173 : i32 to vector<16xi32>
          %lt3A = arith.cmpf olt, %sub3A_187, %while3A_165 : vector<16xf32>
          %lt3A_189 = arith.cmpf olt, %sub3A_187, %while3A_164 : vector<16xf32>
          %lt3A_190 = arith.cmpf olt, %sub3A_187, %while3A_163 : vector<16xf32>
          %select_n3A_191 = arith.select %lt3A, %sub3A_187, %while3A_165 : vector<16xi1>, vector<16xf32>
          %select_n3A_192 = arith.select %lt3A_189, %while3A_164, %select_n3A_191 : vector<16xi1>, vector<16xf32>
          %select_n3A_193 = arith.select %lt3A, %broadcast_in_dim3A_188, %while3A_168 : vector<16xi1>, vector<16xi32>
          %select_n3A_194 = arith.select %lt3A_189, %while3A_167, %select_n3A_193 : vector<16xi1>, vector<16xi32>
          %select_n3A_195 = arith.select %lt3A_189, %sub3A_187, %while3A_164 : vector<16xi1>, vector<16xf32>
          %select_n3A_196 = arith.select %lt3A_190, %while3A_163, %select_n3A_195 : vector<16xi1>, vector<16xf32>
          %select_n3A_197 = arith.select %lt3A_189, %broadcast_in_dim3A_188, %while3A_167 : vector<16xi1>, vector<16xi32>
          %select_n3A_198 = arith.select %lt3A_190, %while3A_166, %select_n3A_197 : vector<16xi1>, vector<16xi32>
          %select_n3A_199 = arith.select %lt3A_190, %sub3A_187, %while3A_163 : vector<16xi1>, vector<16xf32>
          %select_n3A_200 = arith.select %lt3A_190, %broadcast_in_dim3A_188, %while3A_166 : vector<16xi1>, vector<16xi32>
          %add3A_201 = arith.constant 1 : i32
          %add3A_202 = arith.addi %add3A_171, %add3A_201 : i32
          %broadcast_in_dim3A_203 = vector.broadcast %add3A_202 : i32 to vector<16xi32>
          %gather3A_204 = tpu.vector_load_idx %arg18[%broadcast_in_dim3A_203] : memref<4104xf32, #tpu.memory_space<vmem>>[vector<16xi32>], vector<16xf32>,
          %broadcast_in_dim3A_205 = vector.broadcast %add3A_202 : i32 to vector<16xi32>
          %gather3A_206 = tpu.vector_load_idx %arg14[%broadcast_in_dim3A_205] : memref<4104xf32, #tpu.memory_space<vmem>>[vector<16xi32>], vector<16xf32>,
          %mul3A_207 = arith.mulf %mul3A_38, %gather3A_206 : vector<16xf32>
          %broadcast_in_dim3A_208 = vector.broadcast %add3A_202 : i32 to vector<16xi32>
          %gather3A_209 = tpu.vector_load_idx %arg15[%broadcast_in_dim3A_208] : memref<4104xf32, #tpu.memory_space<vmem>>[vector<16xi32>], vector<16xf32>,
          %mul3A_210 = arith.mulf %mul3A_41, %gather3A_209 : vector<16xf32>
          %add3A_211 = arith.addf %mul3A_207, %mul3A_210 : vector<16xf32>
          %broadcast_in_dim3A_212 = vector.broadcast %add3A_202 : i32 to vector<16xi32>
          %gather3A_213 = tpu.vector_load_idx %arg16[%broadcast_in_dim3A_212] : memref<4104xf32, #tpu.memory_space<vmem>>[vector<16xi32>], vector<16xf32>,
          %mul3A_214 = arith.mulf %mul3A_44, %gather3A_213 : vector<16xf32>
          %add3A_215 = arith.addf %add3A_211, %mul3A_214 : vector<16xf32>
          %sub3A_216 = arith.subf %gather3A_204, %add3A_215 : vector<16xf32>
          %broadcast_in_dim3A_217 = vector.broadcast %add3A_202 : i32 to vector<16xi32>
          %lt3A_218 = arith.cmpf olt, %sub3A_216, %select_n3A_192 : vector<16xf32>
          %lt3A_219 = arith.cmpf olt, %sub3A_216, %select_n3A_196 : vector<16xf32>
          %lt3A_220 = arith.cmpf olt, %sub3A_216, %select_n3A_199 : vector<16xf32>
          %select_n3A_221 = arith.select %lt3A_218, %sub3A_216, %select_n3A_192 : vector<16xi1>, vector<16xf32>
          %select_n3A_222 = arith.select %lt3A_219, %select_n3A_196, %select_n3A_221 : vector<16xi1>, vector<16xf32>
          %select_n3A_223 = arith.select %lt3A_218, %broadcast_in_dim3A_217, %select_n3A_194 : vector<16xi1>, vector<16xi32>
          %select_n3A_224 = arith.select %lt3A_219, %select_n3A_198, %select_n3A_223 : vector<16xi1>, vector<16xi32>
          %select_n3A_225 = arith.select %lt3A_219, %sub3A_216, %select_n3A_196 : vector<16xi1>, vector<16xf32>
          %select_n3A_226 = arith.select %lt3A_220, %select_n3A_199, %select_n3A_225 : vector<16xi1>, vector<16xf32>
          %select_n3A_227 = arith.select %lt3A_219, %broadcast_in_dim3A_217, %select_n3A_198 : vector<16xi1>, vector<16xi32>
          %select_n3A_228 = arith.select %lt3A_220, %select_n3A_200, %select_n3A_227 : vector<16xi1>, vector<16xi32>
          %select_n3A_229 = arith.select %lt3A_220, %sub3A_216, %select_n3A_199 : vector<16xi1>, vector<16xf32>
          %select_n3A_230 = arith.select %lt3A_220, %broadcast_in_dim3A_217, %select_n3A_200 : vector<16xi1>, vector<16xi32>
          %add3A_231 = arith.constant 2 : i32
          %add3A_232 = arith.addi %add3A_171, %add3A_231 : i32
          %broadcast_in_dim3A_233 = vector.broadcast %add3A_232 : i32 to vector<16xi32>
          %gather3A_234 = tpu.vector_load_idx %arg18[%broadcast_in_dim3A_233] : memref<4104xf32, #tpu.memory_space<vmem>>[vector<16xi32>], vector<16xf32>,
          %broadcast_in_dim3A_235 = vector.broadcast %add3A_232 : i32 to vector<16xi32>
          %gather3A_236 = tpu.vector_load_idx %arg14[%broadcast_in_dim3A_235] : memref<4104xf32, #tpu.memory_space<vmem>>[vector<16xi32>], vector<16xf32>,
          %mul3A_237 = arith.mulf %mul3A_38, %gather3A_236 : vector<16xf32>
          %broadcast_in_dim3A_238 = vector.broadcast %add3A_232 : i32 to vector<16xi32>
          %gather3A_239 = tpu.vector_load_idx %arg15[%broadcast_in_dim3A_238] : memref<4104xf32, #tpu.memory_space<vmem>>[vector<16xi32>], vector<16xf32>,
          %mul3A_240 = arith.mulf %mul3A_41, %gather3A_239 : vector<16xf32>
          %add3A_241 = arith.addf %mul3A_237, %mul3A_240 : vector<16xf32>
          %broadcast_in_dim3A_242 = vector.broadcast %add3A_232 : i32 to vector<16xi32>
          %gather3A_243 = tpu.vector_load_idx %arg16[%broadcast_in_dim3A_242] : memref<4104xf32, #tpu.memory_space<vmem>>[vector<16xi32>], vector<16xf32>,
          %mul3A_244 = arith.mulf %mul3A_44, %gather3A_243 : vector<16xf32>
          %add3A_245 = arith.addf %add3A_241, %mul3A_244 : vector<16xf32>
          %sub3A_246 = arith.subf %gather3A_234, %add3A_245 : vector<16xf32>
          %broadcast_in_dim3A_247 = vector.broadcast %add3A_232 : i32 to vector<16xi32>
          %lt3A_248 = arith.cmpf olt, %sub3A_246, %select_n3A_222 : vector<16xf32>
          %lt3A_249 = arith.cmpf olt, %sub3A_246, %select_n3A_226 : vector<16xf32>
          %lt3A_250 = arith.cmpf olt, %sub3A_246, %select_n3A_229 : vector<16xf32>
          %select_n3A_251 = arith.select %lt3A_248, %sub3A_246, %select_n3A_222 : vector<16xi1>, vector<16xf32>
          %select_n3A_252 = arith.select %lt3A_249, %select_n3A_226, %select_n3A_251 : vector<16xi1>, vector<16xf32>
          %select_n3A_253 = arith.select %lt3A_248, %broadcast_in_dim3A_247, %select_n3A_224 : vector<16xi1>, vector<16xi32>
          %select_n3A_254 = arith.select %lt3A_249, %select_n3A_228, %select_n3A_253 : vector<16xi1>, vector<16xi32>
          %select_n3A_255 = arith.select %lt3A_249, %sub3A_246, %select_n3A_226 : vector<16xi1>, vector<16xf32>
          %select_n3A_256 = arith.select %lt3A_250, %select_n3A_229, %select_n3A_255 : vector<16xi1>, vector<16xf32>
          %select_n3A_257 = arith.select %lt3A_249, %broadcast_in_dim3A_247, %select_n3A_228 : vector<16xi1>, vector<16xi32>
          %select_n3A_258 = arith.select %lt3A_250, %select_n3A_230, %select_n3A_257 : vector<16xi1>, vector<16xi32>
          %select_n3A_259 = arith.select %lt3A_250, %sub3A_246, %select_n3A_229 : vector<16xi1>, vector<16xf32>
          %select_n3A_260 = arith.select %lt3A_250, %broadcast_in_dim3A_247, %select_n3A_230 : vector<16xi1>, vector<16xi32>
          %add3A_261 = arith.constant 3 : i32
          %add3A_262 = arith.addi %add3A_171, %add3A_261 : i32
          %broadcast_in_dim3A_263 = vector.broadcast %add3A_262 : i32 to vector<16xi32>
          %gather3A_264 = tpu.vector_load_idx %arg18[%broadcast_in_dim3A_263] : memref<4104xf32, #tpu.memory_space<vmem>>[vector<16xi32>], vector<16xf32>,
          %broadcast_in_dim3A_265 = vector.broadcast %add3A_262 : i32 to vector<16xi32>
          %gather3A_266 = tpu.vector_load_idx %arg14[%broadcast_in_dim3A_265] : memref<4104xf32, #tpu.memory_space<vmem>>[vector<16xi32>], vector<16xf32>,
          %mul3A_267 = arith.mulf %mul3A_38, %gather3A_266 : vector<16xf32>
          %broadcast_in_dim3A_268 = vector.broadcast %add3A_262 : i32 to vector<16xi32>
          %gather3A_269 = tpu.vector_load_idx %arg15[%broadcast_in_dim3A_268] : memref<4104xf32, #tpu.memory_space<vmem>>[vector<16xi32>], vector<16xf32>,
          %mul3A_270 = arith.mulf %mul3A_41, %gather3A_269 : vector<16xf32>
          %add3A_271 = arith.addf %mul3A_267, %mul3A_270 : vector<16xf32>
          %broadcast_in_dim3A_272 = vector.broadcast %add3A_262 : i32 to vector<16xi32>
          %gather3A_273 = tpu.vector_load_idx %arg16[%broadcast_in_dim3A_272] : memref<4104xf32, #tpu.memory_space<vmem>>[vector<16xi32>], vector<16xf32>,
          %mul3A_274 = arith.mulf %mul3A_44, %gather3A_273 : vector<16xf32>
          %add3A_275 = arith.addf %add3A_271, %mul3A_274 : vector<16xf32>
          %sub3A_276 = arith.subf %gather3A_264, %add3A_275 : vector<16xf32>
          %broadcast_in_dim3A_277 = vector.broadcast %add3A_262 : i32 to vector<16xi32>
          %lt3A_278 = arith.cmpf olt, %sub3A_276, %select_n3A_252 : vector<16xf32>
          %lt3A_279 = arith.cmpf olt, %sub3A_276, %select_n3A_256 : vector<16xf32>
          %lt3A_280 = arith.cmpf olt, %sub3A_276, %select_n3A_259 : vector<16xf32>
          %select_n3A_281 = arith.select %lt3A_278, %sub3A_276, %select_n3A_252 : vector<16xi1>, vector<16xf32>
          %select_n3A_282 = arith.select %lt3A_279, %select_n3A_256, %select_n3A_281 : vector<16xi1>, vector<16xf32>
          %select_n3A_283 = arith.select %lt3A_278, %broadcast_in_dim3A_277, %select_n3A_254 : vector<16xi1>, vector<16xi32>
          %select_n3A_284 = arith.select %lt3A_279, %select_n3A_258, %select_n3A_283 : vector<16xi1>, vector<16xi32>
          %select_n3A_285 = arith.select %lt3A_279, %sub3A_276, %select_n3A_256 : vector<16xi1>, vector<16xf32>
          %select_n3A_286 = arith.select %lt3A_280, %select_n3A_259, %select_n3A_285 : vector<16xi1>, vector<16xf32>
          %select_n3A_287 = arith.select %lt3A_279, %broadcast_in_dim3A_277, %select_n3A_258 : vector<16xi1>, vector<16xi32>
          %select_n3A_288 = arith.select %lt3A_280, %select_n3A_260, %select_n3A_287 : vector<16xi1>, vector<16xi32>
          %select_n3A_289 = arith.select %lt3A_280, %sub3A_276, %select_n3A_259 : vector<16xi1>, vector<16xf32>
          %select_n3A_290 = arith.select %lt3A_280, %broadcast_in_dim3A_277, %select_n3A_260 : vector<16xi1>, vector<16xi32>
          scf.yield %select_n3A_289, %select_n3A_286, %select_n3A_282, %select_n3A_290, %select_n3A_288, %select_n3A_284 : vector<16xf32>, vector<16xf32>, vector<16xf32>, vector<16xi32>, vector<16xi32>, vector<16xi32>
        }
        %while3A_147 = arith.constant 1 : i32
        %while3A_148:6 = scf.for %while3A_162 = %while3A_144 to %while3A_140 step %while3A_147 iter_args(%while3A_163 = %while3A_146#0, %while3A_164 = %while3A_146#1, %while3A_165 = %while3A_146#2, %while3A_166 = %while3A_146#3, %while3A_167 = %while3A_146#4, %while3A_168 = %while3A_146#5) -> (vector<16xf32>, vector<16xf32>, vector<16xf32>, vector<16xi32>, vector<16xi32>, vector<16xi32>)  : i32 {
          %mul3A_169 = arith.constant 4 : i32
          %mul3A_170 = arith.muli %while3A_162, %mul3A_169 : i32
          %add3A_171 = arith.addi %squeeze3A, %mul3A_170 : i32
          %add3A_172 = arith.constant 0 : i32
          %add3A_173 = arith.addi %add3A_171, %add3A_172 : i32
          %broadcast_in_dim3A_174 = vector.broadcast %add3A_173 : i32 to vector<16xi32>
          %gather3A_175 = tpu.vector_load_idx %arg18[%broadcast_in_dim3A_174] : memref<4104xf32, #tpu.memory_space<vmem>>[vector<16xi32>], vector<16xf32>,
          %broadcast_in_dim3A_176 = vector.broadcast %add3A_173 : i32 to vector<16xi32>
          %gather3A_177 = tpu.vector_load_idx %arg14[%broadcast_in_dim3A_176] : memref<4104xf32, #tpu.memory_space<vmem>>[vector<16xi32>], vector<16xf32>,
          %mul3A_178 = arith.mulf %mul3A_38, %gather3A_177 : vector<16xf32>
          %broadcast_in_dim3A_179 = vector.broadcast %add3A_173 : i32 to vector<16xi32>
          %gather3A_180 = tpu.vector_load_idx %arg15[%broadcast_in_dim3A_179] : memref<4104xf32, #tpu.memory_space<vmem>>[vector<16xi32>], vector<16xf32>,
          %mul3A_181 = arith.mulf %mul3A_41, %gather3A_180 : vector<16xf32>
          %add3A_182 = arith.addf %mul3A_178, %mul3A_181 : vector<16xf32>
          %broadcast_in_dim3A_183 = vector.broadcast %add3A_173 : i32 to vector<16xi32>
          %gather3A_184 = tpu.vector_load_idx %arg16[%broadcast_in_dim3A_183] : memref<4104xf32, #tpu.memory_space<vmem>>[vector<16xi32>], vector<16xf32>,
          %mul3A_185 = arith.mulf %mul3A_44, %gather3A_184 : vector<16xf32>
          %add3A_186 = arith.addf %add3A_182, %mul3A_185 : vector<16xf32>
          %sub3A_187 = arith.subf %gather3A_175, %add3A_186 : vector<16xf32>
          %broadcast_in_dim3A_188 = vector.broadcast %add3A_173 : i32 to vector<16xi32>
          %lt3A = arith.cmpf olt, %sub3A_187, %while3A_165 : vector<16xf32>
          %lt3A_189 = arith.cmpf olt, %sub3A_187, %while3A_164 : vector<16xf32>
          %lt3A_190 = arith.cmpf olt, %sub3A_187, %while3A_163 : vector<16xf32>
          %select_n3A_191 = arith.select %lt3A, %sub3A_187, %while3A_165 : vector<16xi1>, vector<16xf32>
          %select_n3A_192 = arith.select %lt3A_189, %while3A_164, %select_n3A_191 : vector<16xi1>, vector<16xf32>
          %select_n3A_193 = arith.select %lt3A, %broadcast_in_dim3A_188, %while3A_168 : vector<16xi1>, vector<16xi32>
          %select_n3A_194 = arith.select %lt3A_189, %while3A_167, %select_n3A_193 : vector<16xi1>, vector<16xi32>
          %select_n3A_195 = arith.select %lt3A_189, %sub3A_187, %while3A_164 : vector<16xi1>, vector<16xf32>
          %select_n3A_196 = arith.select %lt3A_190, %while3A_163, %select_n3A_195 : vector<16xi1>, vector<16xf32>
          %select_n3A_197 = arith.select %lt3A_189, %broadcast_in_dim3A_188, %while3A_167 : vector<16xi1>, vector<16xi32>
          %select_n3A_198 = arith.select %lt3A_190, %while3A_166, %select_n3A_197 : vector<16xi1>, vector<16xi32>
          %select_n3A_199 = arith.select %lt3A_190, %sub3A_187, %while3A_163 : vector<16xi1>, vector<16xf32>
          %select_n3A_200 = arith.select %lt3A_190, %broadcast_in_dim3A_188, %while3A_166 : vector<16xi1>, vector<16xi32>
          %add3A_201 = arith.constant 1 : i32
          %add3A_202 = arith.addi %add3A_171, %add3A_201 : i32
          %broadcast_in_dim3A_203 = vector.broadcast %add3A_202 : i32 to vector<16xi32>
          %gather3A_204 = tpu.vector_load_idx %arg18[%broadcast_in_dim3A_203] : memref<4104xf32, #tpu.memory_space<vmem>>[vector<16xi32>], vector<16xf32>,
          %broadcast_in_dim3A_205 = vector.broadcast %add3A_202 : i32 to vector<16xi32>
          %gather3A_206 = tpu.vector_load_idx %arg14[%broadcast_in_dim3A_205] : memref<4104xf32, #tpu.memory_space<vmem>>[vector<16xi32>], vector<16xf32>,
          %mul3A_207 = arith.mulf %mul3A_38, %gather3A_206 : vector<16xf32>
          %broadcast_in_dim3A_208 = vector.broadcast %add3A_202 : i32 to vector<16xi32>
          %gather3A_209 = tpu.vector_load_idx %arg15[%broadcast_in_dim3A_208] : memref<4104xf32, #tpu.memory_space<vmem>>[vector<16xi32>], vector<16xf32>,
          %mul3A_210 = arith.mulf %mul3A_41, %gather3A_209 : vector<16xf32>
          %add3A_211 = arith.addf %mul3A_207, %mul3A_210 : vector<16xf32>
          %broadcast_in_dim3A_212 = vector.broadcast %add3A_202 : i32 to vector<16xi32>
          %gather3A_213 = tpu.vector_load_idx %arg16[%broadcast_in_dim3A_212] : memref<4104xf32, #tpu.memory_space<vmem>>[vector<16xi32>], vector<16xf32>,
          %mul3A_214 = arith.mulf %mul3A_44, %gather3A_213 : vector<16xf32>
          %add3A_215 = arith.addf %add3A_211, %mul3A_214 : vector<16xf32>
          %sub3A_216 = arith.subf %gather3A_204, %add3A_215 : vector<16xf32>
          %broadcast_in_dim3A_217 = vector.broadcast %add3A_202 : i32 to vector<16xi32>
          %lt3A_218 = arith.cmpf olt, %sub3A_216, %select_n3A_192 : vector<16xf32>
          %lt3A_219 = arith.cmpf olt, %sub3A_216, %select_n3A_196 : vector<16xf32>
          %lt3A_220 = arith.cmpf olt, %sub3A_216, %select_n3A_199 : vector<16xf32>
          %select_n3A_221 = arith.select %lt3A_218, %sub3A_216, %select_n3A_192 : vector<16xi1>, vector<16xf32>
          %select_n3A_222 = arith.select %lt3A_219, %select_n3A_196, %select_n3A_221 : vector<16xi1>, vector<16xf32>
          %select_n3A_223 = arith.select %lt3A_218, %broadcast_in_dim3A_217, %select_n3A_194 : vector<16xi1>, vector<16xi32>
          %select_n3A_224 = arith.select %lt3A_219, %select_n3A_198, %select_n3A_223 : vector<16xi1>, vector<16xi32>
          %select_n3A_225 = arith.select %lt3A_219, %sub3A_216, %select_n3A_196 : vector<16xi1>, vector<16xf32>
          %select_n3A_226 = arith.select %lt3A_220, %select_n3A_199, %select_n3A_225 : vector<16xi1>, vector<16xf32>
          %select_n3A_227 = arith.select %lt3A_219, %broadcast_in_dim3A_217, %select_n3A_198 : vector<16xi1>, vector<16xi32>
          %select_n3A_228 = arith.select %lt3A_220, %select_n3A_200, %select_n3A_227 : vector<16xi1>, vector<16xi32>
          %select_n3A_229 = arith.select %lt3A_220, %sub3A_216, %select_n3A_199 : vector<16xi1>, vector<16xf32>
          %select_n3A_230 = arith.select %lt3A_220, %broadcast_in_dim3A_217, %select_n3A_200 : vector<16xi1>, vector<16xi32>
          %add3A_231 = arith.constant 2 : i32
          %add3A_232 = arith.addi %add3A_171, %add3A_231 : i32
          %broadcast_in_dim3A_233 = vector.broadcast %add3A_232 : i32 to vector<16xi32>
          %gather3A_234 = tpu.vector_load_idx %arg18[%broadcast_in_dim3A_233] : memref<4104xf32, #tpu.memory_space<vmem>>[vector<16xi32>], vector<16xf32>,
          %broadcast_in_dim3A_235 = vector.broadcast %add3A_232 : i32 to vector<16xi32>
          %gather3A_236 = tpu.vector_load_idx %arg14[%broadcast_in_dim3A_235] : memref<4104xf32, #tpu.memory_space<vmem>>[vector<16xi32>], vector<16xf32>,
          %mul3A_237 = arith.mulf %mul3A_38, %gather3A_236 : vector<16xf32>
          %broadcast_in_dim3A_238 = vector.broadcast %add3A_232 : i32 to vector<16xi32>
          %gather3A_239 = tpu.vector_load_idx %arg15[%broadcast_in_dim3A_238] : memref<4104xf32, #tpu.memory_space<vmem>>[vector<16xi32>], vector<16xf32>,
          %mul3A_240 = arith.mulf %mul3A_41, %gather3A_239 : vector<16xf32>
          %add3A_241 = arith.addf %mul3A_237, %mul3A_240 : vector<16xf32>
          %broadcast_in_dim3A_242 = vector.broadcast %add3A_232 : i32 to vector<16xi32>
          %gather3A_243 = tpu.vector_load_idx %arg16[%broadcast_in_dim3A_242] : memref<4104xf32, #tpu.memory_space<vmem>>[vector<16xi32>], vector<16xf32>,
          %mul3A_244 = arith.mulf %mul3A_44, %gather3A_243 : vector<16xf32>
          %add3A_245 = arith.addf %add3A_241, %mul3A_244 : vector<16xf32>
          %sub3A_246 = arith.subf %gather3A_234, %add3A_245 : vector<16xf32>
          %broadcast_in_dim3A_247 = vector.broadcast %add3A_232 : i32 to vector<16xi32>
          %lt3A_248 = arith.cmpf olt, %sub3A_246, %select_n3A_222 : vector<16xf32>
          %lt3A_249 = arith.cmpf olt, %sub3A_246, %select_n3A_226 : vector<16xf32>
          %lt3A_250 = arith.cmpf olt, %sub3A_246, %select_n3A_229 : vector<16xf32>
          %select_n3A_251 = arith.select %lt3A_248, %sub3A_246, %select_n3A_222 : vector<16xi1>, vector<16xf32>
          %select_n3A_252 = arith.select %lt3A_249, %select_n3A_226, %select_n3A_251 : vector<16xi1>, vector<16xf32>
          %select_n3A_253 = arith.select %lt3A_248, %broadcast_in_dim3A_247, %select_n3A_224 : vector<16xi1>, vector<16xi32>
          %select_n3A_254 = arith.select %lt3A_249, %select_n3A_228, %select_n3A_253 : vector<16xi1>, vector<16xi32>
          %select_n3A_255 = arith.select %lt3A_249, %sub3A_246, %select_n3A_226 : vector<16xi1>, vector<16xf32>
          %select_n3A_256 = arith.select %lt3A_250, %select_n3A_229, %select_n3A_255 : vector<16xi1>, vector<16xf32>
          %select_n3A_257 = arith.select %lt3A_249, %broadcast_in_dim3A_247, %select_n3A_228 : vector<16xi1>, vector<16xi32>
          %select_n3A_258 = arith.select %lt3A_250, %select_n3A_230, %select_n3A_257 : vector<16xi1>, vector<16xi32>
          %select_n3A_259 = arith.select %lt3A_250, %sub3A_246, %select_n3A_229 : vector<16xi1>, vector<16xf32>
          %select_n3A_260 = arith.select %lt3A_250, %broadcast_in_dim3A_247, %select_n3A_230 : vector<16xi1>, vector<16xi32>
          %add3A_261 = arith.constant 3 : i32
          %add3A_262 = arith.addi %add3A_171, %add3A_261 : i32
          %broadcast_in_dim3A_263 = vector.broadcast %add3A_262 : i32 to vector<16xi32>
          %gather3A_264 = tpu.vector_load_idx %arg18[%broadcast_in_dim3A_263] : memref<4104xf32, #tpu.memory_space<vmem>>[vector<16xi32>], vector<16xf32>,
          %broadcast_in_dim3A_265 = vector.broadcast %add3A_262 : i32 to vector<16xi32>
          %gather3A_266 = tpu.vector_load_idx %arg14[%broadcast_in_dim3A_265] : memref<4104xf32, #tpu.memory_space<vmem>>[vector<16xi32>], vector<16xf32>,
          %mul3A_267 = arith.mulf %mul3A_38, %gather3A_266 : vector<16xf32>
          %broadcast_in_dim3A_268 = vector.broadcast %add3A_262 : i32 to vector<16xi32>
          %gather3A_269 = tpu.vector_load_idx %arg15[%broadcast_in_dim3A_268] : memref<4104xf32, #tpu.memory_space<vmem>>[vector<16xi32>], vector<16xf32>,
          %mul3A_270 = arith.mulf %mul3A_41, %gather3A_269 : vector<16xf32>
          %add3A_271 = arith.addf %mul3A_267, %mul3A_270 : vector<16xf32>
          %broadcast_in_dim3A_272 = vector.broadcast %add3A_262 : i32 to vector<16xi32>
          %gather3A_273 = tpu.vector_load_idx %arg16[%broadcast_in_dim3A_272] : memref<4104xf32, #tpu.memory_space<vmem>>[vector<16xi32>], vector<16xf32>,
          %mul3A_274 = arith.mulf %mul3A_44, %gather3A_273 : vector<16xf32>
          %add3A_275 = arith.addf %add3A_271, %mul3A_274 : vector<16xf32>
          %sub3A_276 = arith.subf %gather3A_264, %add3A_275 : vector<16xf32>
          %broadcast_in_dim3A_277 = vector.broadcast %add3A_262 : i32 to vector<16xi32>
          %lt3A_278 = arith.cmpf olt, %sub3A_276, %select_n3A_252 : vector<16xf32>
          %lt3A_279 = arith.cmpf olt, %sub3A_276, %select_n3A_256 : vector<16xf32>
          %lt3A_280 = arith.cmpf olt, %sub3A_276, %select_n3A_259 : vector<16xf32>
          %select_n3A_281 = arith.select %lt3A_278, %sub3A_276, %select_n3A_252 : vector<16xi1>, vector<16xf32>
          %select_n3A_282 = arith.select %lt3A_279, %select_n3A_256, %select_n3A_281 : vector<16xi1>, vector<16xf32>
          %select_n3A_283 = arith.select %lt3A_278, %broadcast_in_dim3A_277, %select_n3A_254 : vector<16xi1>, vector<16xi32>
          %select_n3A_284 = arith.select %lt3A_279, %select_n3A_258, %select_n3A_283 : vector<16xi1>, vector<16xi32>
          %select_n3A_285 = arith.select %lt3A_279, %sub3A_276, %select_n3A_256 : vector<16xi1>, vector<16xf32>
          %select_n3A_286 = arith.select %lt3A_280, %select_n3A_259, %select_n3A_285 : vector<16xi1>, vector<16xf32>
          %select_n3A_287 = arith.select %lt3A_279, %broadcast_in_dim3A_277, %select_n3A_258 : vector<16xi1>, vector<16xi32>
          %select_n3A_288 = arith.select %lt3A_280, %select_n3A_260, %select_n3A_287 : vector<16xi1>, vector<16xi32>
          %select_n3A_289 = arith.select %lt3A_280, %sub3A_276, %select_n3A_259 : vector<16xi1>, vector<16xf32>
          %select_n3A_290 = arith.select %lt3A_280, %broadcast_in_dim3A_277, %select_n3A_260 : vector<16xi1>, vector<16xi32>
          scf.yield %select_n3A_289, %select_n3A_286, %select_n3A_282, %select_n3A_290, %select_n3A_288, %select_n3A_284 : vector<16xf32>, vector<16xf32>, vector<16xf32>, vector<16xi32>, vector<16xi32>, vector<16xi32>
        }
        %mul3A_149 = arith.constant 4 : i32
        %mul3A_150 = arith.muli %select_n3A, %mul3A_149 : i32
        %add3A_151 = arith.addi %squeeze3A, %mul3A_150 : i32
        %while3A_152 = arith.subi %squeeze3A_49, %add3A_151 : i32
        %while3A_153 = arith.addi %add3A_151, %while3A_152 : i32
        %while3A_154 = arith.constant 1 : i32
        %while3A_155 = arith.divsi %while3A_152, %while3A_154 : i32
        %while3A_156 = arith.muli %while3A_155, %while3A_154 : i32
        %while3A_157 = arith.addi %add3A_151, %while3A_156 : i32
        %while3A_158 = arith.constant 1 : i32
        %while3A_159:6 = scf.for %while3A_162 = %add3A_151 to %while3A_157 step %while3A_158 iter_args(%while3A_163 = %while3A_148#0, %while3A_164 = %while3A_148#1, %while3A_165 = %while3A_148#2, %while3A_166 = %while3A_148#3, %while3A_167 = %while3A_148#4, %while3A_168 = %while3A_148#5) -> (vector<16xf32>, vector<16xf32>, vector<16xf32>, vector<16xi32>, vector<16xi32>, vector<16xi32>)  : i32 {
          %broadcast_in_dim3A_169 = vector.broadcast %while3A_162 : i32 to vector<16xi32>
          %gather3A_170 = tpu.vector_load_idx %arg18[%broadcast_in_dim3A_169] : memref<4104xf32, #tpu.memory_space<vmem>>[vector<16xi32>], vector<16xf32>,
          %broadcast_in_dim3A_171 = vector.broadcast %while3A_162 : i32 to vector<16xi32>
          %gather3A_172 = tpu.vector_load_idx %arg14[%broadcast_in_dim3A_171] : memref<4104xf32, #tpu.memory_space<vmem>>[vector<16xi32>], vector<16xf32>,
          %mul3A_173 = arith.mulf %mul3A_38, %gather3A_172 : vector<16xf32>
          %broadcast_in_dim3A_174 = vector.broadcast %while3A_162 : i32 to vector<16xi32>
          %gather3A_175 = tpu.vector_load_idx %arg15[%broadcast_in_dim3A_174] : memref<4104xf32, #tpu.memory_space<vmem>>[vector<16xi32>], vector<16xf32>,
          %mul3A_176 = arith.mulf %mul3A_41, %gather3A_175 : vector<16xf32>
          %add3A_177 = arith.addf %mul3A_173, %mul3A_176 : vector<16xf32>
          %broadcast_in_dim3A_178 = vector.broadcast %while3A_162 : i32 to vector<16xi32>
          %gather3A_179 = tpu.vector_load_idx %arg16[%broadcast_in_dim3A_178] : memref<4104xf32, #tpu.memory_space<vmem>>[vector<16xi32>], vector<16xf32>,
          %mul3A_180 = arith.mulf %mul3A_44, %gather3A_179 : vector<16xf32>
          %add3A_181 = arith.addf %add3A_177, %mul3A_180 : vector<16xf32>
          %sub3A_182 = arith.subf %gather3A_170, %add3A_181 : vector<16xf32>
          %broadcast_in_dim3A_183 = vector.broadcast %while3A_162 : i32 to vector<16xi32>
          %lt3A = arith.cmpf olt, %sub3A_182, %while3A_165 : vector<16xf32>
          %lt3A_184 = arith.cmpf olt, %sub3A_182, %while3A_164 : vector<16xf32>
          %lt3A_185 = arith.cmpf olt, %sub3A_182, %while3A_163 : vector<16xf32>
          %select_n3A_186 = arith.select %lt3A, %sub3A_182, %while3A_165 : vector<16xi1>, vector<16xf32>
          %select_n3A_187 = arith.select %lt3A_184, %while3A_164, %select_n3A_186 : vector<16xi1>, vector<16xf32>
          %select_n3A_188 = arith.select %lt3A, %broadcast_in_dim3A_183, %while3A_168 : vector<16xi1>, vector<16xi32>
          %select_n3A_189 = arith.select %lt3A_184, %while3A_167, %select_n3A_188 : vector<16xi1>, vector<16xi32>
          %select_n3A_190 = arith.select %lt3A_184, %sub3A_182, %while3A_164 : vector<16xi1>, vector<16xf32>
          %select_n3A_191 = arith.select %lt3A_185, %while3A_163, %select_n3A_190 : vector<16xi1>, vector<16xf32>
          %select_n3A_192 = arith.select %lt3A_184, %broadcast_in_dim3A_183, %while3A_167 : vector<16xi1>, vector<16xi32>
          %select_n3A_193 = arith.select %lt3A_185, %while3A_166, %select_n3A_192 : vector<16xi1>, vector<16xi32>
          %select_n3A_194 = arith.select %lt3A_185, %sub3A_182, %while3A_163 : vector<16xi1>, vector<16xf32>
          %select_n3A_195 = arith.select %lt3A_185, %broadcast_in_dim3A_183, %while3A_166 : vector<16xi1>, vector<16xi32>
          scf.yield %select_n3A_194, %select_n3A_191, %select_n3A_187, %select_n3A_195, %select_n3A_193, %select_n3A_189 : vector<16xf32>, vector<16xf32>, vector<16xf32>, vector<16xi32>, vector<16xi32>, vector<16xi32>
        }
        %while3A_160 = arith.constant 1 : i32
        %while3A_161:6 = scf.for %while3A_162 = %while3A_157 to %while3A_153 step %while3A_160 iter_args(%while3A_163 = %while3A_159#0, %while3A_164 = %while3A_159#1, %while3A_165 = %while3A_159#2, %while3A_166 = %while3A_159#3, %while3A_167 = %while3A_159#4, %while3A_168 = %while3A_159#5) -> (vector<16xf32>, vector<16xf32>, vector<16xf32>, vector<16xi32>, vector<16xi32>, vector<16xi32>)  : i32 {
          %broadcast_in_dim3A_169 = vector.broadcast %while3A_162 : i32 to vector<16xi32>
          %gather3A_170 = tpu.vector_load_idx %arg18[%broadcast_in_dim3A_169] : memref<4104xf32, #tpu.memory_space<vmem>>[vector<16xi32>], vector<16xf32>,
          %broadcast_in_dim3A_171 = vector.broadcast %while3A_162 : i32 to vector<16xi32>
          %gather3A_172 = tpu.vector_load_idx %arg14[%broadcast_in_dim3A_171] : memref<4104xf32, #tpu.memory_space<vmem>>[vector<16xi32>], vector<16xf32>,
          %mul3A_173 = arith.mulf %mul3A_38, %gather3A_172 : vector<16xf32>
          %broadcast_in_dim3A_174 = vector.broadcast %while3A_162 : i32 to vector<16xi32>
          %gather3A_175 = tpu.vector_load_idx %arg15[%broadcast_in_dim3A_174] : memref<4104xf32, #tpu.memory_space<vmem>>[vector<16xi32>], vector<16xf32>,
          %mul3A_176 = arith.mulf %mul3A_41, %gather3A_175 : vector<16xf32>
          %add3A_177 = arith.addf %mul3A_173, %mul3A_176 : vector<16xf32>
          %broadcast_in_dim3A_178 = vector.broadcast %while3A_162 : i32 to vector<16xi32>
          %gather3A_179 = tpu.vector_load_idx %arg16[%broadcast_in_dim3A_178] : memref<4104xf32, #tpu.memory_space<vmem>>[vector<16xi32>], vector<16xf32>,
          %mul3A_180 = arith.mulf %mul3A_44, %gather3A_179 : vector<16xf32>
          %add3A_181 = arith.addf %add3A_177, %mul3A_180 : vector<16xf32>
          %sub3A_182 = arith.subf %gather3A_170, %add3A_181 : vector<16xf32>
          %broadcast_in_dim3A_183 = vector.broadcast %while3A_162 : i32 to vector<16xi32>
          %lt3A = arith.cmpf olt, %sub3A_182, %while3A_165 : vector<16xf32>
          %lt3A_184 = arith.cmpf olt, %sub3A_182, %while3A_164 : vector<16xf32>
          %lt3A_185 = arith.cmpf olt, %sub3A_182, %while3A_163 : vector<16xf32>
          %select_n3A_186 = arith.select %lt3A, %sub3A_182, %while3A_165 : vector<16xi1>, vector<16xf32>
          %select_n3A_187 = arith.select %lt3A_184, %while3A_164, %select_n3A_186 : vector<16xi1>, vector<16xf32>
          %select_n3A_188 = arith.select %lt3A, %broadcast_in_dim3A_183, %while3A_168 : vector<16xi1>, vector<16xi32>
          %select_n3A_189 = arith.select %lt3A_184, %while3A_167, %select_n3A_188 : vector<16xi1>, vector<16xi32>
          %select_n3A_190 = arith.select %lt3A_184, %sub3A_182, %while3A_164 : vector<16xi1>, vector<16xf32>
          %select_n3A_191 = arith.select %lt3A_185, %while3A_163, %select_n3A_190 : vector<16xi1>, vector<16xf32>
          %select_n3A_192 = arith.select %lt3A_184, %broadcast_in_dim3A_183, %while3A_167 : vector<16xi1>, vector<16xi32>
          %select_n3A_193 = arith.select %lt3A_185, %while3A_166, %select_n3A_192 : vector<16xi1>, vector<16xi32>
          %select_n3A_194 = arith.select %lt3A_185, %sub3A_182, %while3A_163 : vector<16xi1>, vector<16xf32>
          %select_n3A_195 = arith.select %lt3A_185, %broadcast_in_dim3A_183, %while3A_166 : vector<16xi1>, vector<16xi32>
          scf.yield %select_n3A_194, %select_n3A_191, %select_n3A_187, %select_n3A_195, %select_n3A_193, %select_n3A_189 : vector<16xf32>, vector<16xf32>, vector<16xf32>, vector<16xi32>, vector<16xi32>, vector<16xi32>
        }
        scf.yield %while3A_161#0, %while3A_161#1, %while3A_161#2, %while3A_161#3, %while3A_161#4, %while3A_161#5 : vector<16xf32>, vector<16xf32>, vector<16xf32>, vector<16xi32>, vector<16xi32>, vector<16xi32>
      } else {
        %sub3A_120 = arith.subi %squeeze3A_49, %squeeze3A : i32
        %add3A_121 = arith.constant 3 : i32
        %add3A_122 = arith.addi %sub3A_120, %add3A_121 : i32
        %jit3A = arith.constant 4 : i32
        %div3A_123 = arith.divsi %add3A_122, %jit3A : i32
        %sign3A = arith.constant 0 : i32
        %sign3A_124 = arith.cmpi sgt, %add3A_122, %sign3A : i32
        %sign3A_125 = arith.extui %sign3A_124 : i1 to i32
        %sign3A_126 = arith.constant 0 : i32
        %sign3A_127 = arith.cmpi slt, %add3A_122, %sign3A_126 : i32
        %sign3A_128 = arith.extui %sign3A_127 : i1 to i32
        %sign3A_129 = arith.subi %sign3A_125, %sign3A_128 : i32
        %sign3A_130 = arith.constant 0 : i32
        %sign3A_131 = arith.cmpi sgt, %jit3A, %sign3A_130 : i32
        %sign3A_132 = arith.extui %sign3A_131 : i1 to i32
        %sign3A_133 = arith.constant 0 : i32
        %sign3A_134 = arith.cmpi slt, %jit3A, %sign3A_133 : i32
        %sign3A_135 = arith.extui %sign3A_134 : i1 to i32
        %sign3A_136 = arith.subi %sign3A_132, %sign3A_135 : i32
        %ne3A = arith.cmpi ne, %sign3A_129, %sign3A_136 : i32
        %rem3A = arith.remsi %add3A_122, %jit3A : i32
        %ne3A_137 = arith.constant 0 : i32
        %ne3A_138 = arith.cmpi ne, %rem3A, %ne3A_137 : i32
        %and3A = arith.andi %ne3A, %ne3A_138 : i1
        %sub3A_139 = arith.constant 1 : i32
        %sub3A_140 = arith.subi %div3A_123, %sub3A_139 : i32
        %select_n3A = arith.select %and3A, %sub3A_140, %div3A_123 : i32
        %while3A = arith.constant 0 : i32
        %while3A_141 = arith.subi %select_n3A, %while3A : i32
        %while3A_142 = arith.addi %while3A, %while3A_141 : i32
        %while3A_143 = arith.constant 1 : i32
        %while3A_144 = arith.divsi %while3A_141, %while3A_143 : i32
        %while3A_145 = arith.muli %while3A_144, %while3A_143 : i32
        %while3A_146 = arith.addi %while3A, %while3A_145 : i32
        %while3A_147 = arith.constant 1 : i32
        %while3A_148:6 = scf.for %while3A_151 = %while3A to %while3A_146 step %while3A_147 iter_args(%while3A_152 = %broadcast_in_dim3A_3, %while3A_153 = %broadcast_in_dim3A_3, %while3A_154 = %broadcast_in_dim3A_3, %while3A_155 = %broadcast_in_dim3A_5, %while3A_156 = %broadcast_in_dim3A_5, %while3A_157 = %broadcast_in_dim3A_5) -> (vector<16xf32>, vector<16xf32>, vector<16xf32>, vector<16xi32>, vector<16xi32>, vector<16xi32>)  : i32 {
          %mul3A_158 = arith.constant 4 : i32
          %mul3A_159 = arith.muli %while3A_151, %mul3A_158 : i32
          %add3A_160 = arith.addi %squeeze3A, %mul3A_159 : i32
          %add3A_161 = arith.constant 0 : i32
          %add3A_162 = arith.addi %add3A_160, %add3A_161 : i32
          %broadcast_in_dim3A_163 = vector.broadcast %add3A_162 : i32 to vector<16xi32>
          %gather3A_164 = tpu.vector_load_idx %arg18[%broadcast_in_dim3A_163] : memref<4104xf32, #tpu.memory_space<vmem>>[vector<16xi32>], vector<16xf32>,
          %broadcast_in_dim3A_165 = vector.broadcast %add3A_162 : i32 to vector<16xi32>
          %gather3A_166 = tpu.vector_load_idx %arg14[%broadcast_in_dim3A_165] : memref<4104xf32, #tpu.memory_space<vmem>>[vector<16xi32>], vector<16xf32>,
          %mul3A_167 = arith.mulf %mul3A_38, %gather3A_166 : vector<16xf32>
          %broadcast_in_dim3A_168 = vector.broadcast %add3A_162 : i32 to vector<16xi32>
          %gather3A_169 = tpu.vector_load_idx %arg15[%broadcast_in_dim3A_168] : memref<4104xf32, #tpu.memory_space<vmem>>[vector<16xi32>], vector<16xf32>,
          %mul3A_170 = arith.mulf %mul3A_41, %gather3A_169 : vector<16xf32>
          %add3A_171 = arith.addf %mul3A_167, %mul3A_170 : vector<16xf32>
          %broadcast_in_dim3A_172 = vector.broadcast %add3A_162 : i32 to vector<16xi32>
          %gather3A_173 = tpu.vector_load_idx %arg16[%broadcast_in_dim3A_172] : memref<4104xf32, #tpu.memory_space<vmem>>[vector<16xi32>], vector<16xf32>,
          %mul3A_174 = arith.mulf %mul3A_44, %gather3A_173 : vector<16xf32>
          %add3A_175 = arith.addf %add3A_171, %mul3A_174 : vector<16xf32>
          %sub3A_176 = arith.subf %gather3A_164, %add3A_175 : vector<16xf32>
          %broadcast_in_dim3A_177 = vector.broadcast %add3A_162 : i32 to vector<16xi32>
          %gather3A_178 = tpu.vector_load_idx %arg17[%broadcast_in_dim3A_177] : memref<4104xi32, #tpu.memory_space<vmem>>[vector<16xi32>], vector<16xi32>,
          %eq3A_179 = arith.cmpi eq, %get3A_46, %gather3A_178 : vector<16xi32>
          %select_n3A_180 = arith.select %eq3A_179, %broadcast_in_dim3A_7, %broadcast_in_dim3A_9 : vector<16xi1>, vector<16xf32>
          %add3A_181 = arith.addf %sub3A_176, %select_n3A_180 : vector<16xf32>
          %broadcast_in_dim3A_182 = vector.broadcast %add3A_162 : i32 to vector<16xi32>
          %lt3A = arith.cmpf olt, %add3A_181, %while3A_154 : vector<16xf32>
          %lt3A_183 = arith.cmpf olt, %add3A_181, %while3A_153 : vector<16xf32>
          %lt3A_184 = arith.cmpf olt, %add3A_181, %while3A_152 : vector<16xf32>
          %select_n3A_185 = arith.select %lt3A, %add3A_181, %while3A_154 : vector<16xi1>, vector<16xf32>
          %select_n3A_186 = arith.select %lt3A_183, %while3A_153, %select_n3A_185 : vector<16xi1>, vector<16xf32>
          %select_n3A_187 = arith.select %lt3A, %broadcast_in_dim3A_182, %while3A_157 : vector<16xi1>, vector<16xi32>
          %select_n3A_188 = arith.select %lt3A_183, %while3A_156, %select_n3A_187 : vector<16xi1>, vector<16xi32>
          %select_n3A_189 = arith.select %lt3A_183, %add3A_181, %while3A_153 : vector<16xi1>, vector<16xf32>
          %select_n3A_190 = arith.select %lt3A_184, %while3A_152, %select_n3A_189 : vector<16xi1>, vector<16xf32>
          %select_n3A_191 = arith.select %lt3A_183, %broadcast_in_dim3A_182, %while3A_156 : vector<16xi1>, vector<16xi32>
          %select_n3A_192 = arith.select %lt3A_184, %while3A_155, %select_n3A_191 : vector<16xi1>, vector<16xi32>
          %select_n3A_193 = arith.select %lt3A_184, %add3A_181, %while3A_152 : vector<16xi1>, vector<16xf32>
          %select_n3A_194 = arith.select %lt3A_184, %broadcast_in_dim3A_182, %while3A_155 : vector<16xi1>, vector<16xi32>
          %add3A_195 = arith.constant 1 : i32
          %add3A_196 = arith.addi %add3A_160, %add3A_195 : i32
          %broadcast_in_dim3A_197 = vector.broadcast %add3A_196 : i32 to vector<16xi32>
          %gather3A_198 = tpu.vector_load_idx %arg18[%broadcast_in_dim3A_197] : memref<4104xf32, #tpu.memory_space<vmem>>[vector<16xi32>], vector<16xf32>,
          %broadcast_in_dim3A_199 = vector.broadcast %add3A_196 : i32 to vector<16xi32>
          %gather3A_200 = tpu.vector_load_idx %arg14[%broadcast_in_dim3A_199] : memref<4104xf32, #tpu.memory_space<vmem>>[vector<16xi32>], vector<16xf32>,
          %mul3A_201 = arith.mulf %mul3A_38, %gather3A_200 : vector<16xf32>
          %broadcast_in_dim3A_202 = vector.broadcast %add3A_196 : i32 to vector<16xi32>
          %gather3A_203 = tpu.vector_load_idx %arg15[%broadcast_in_dim3A_202] : memref<4104xf32, #tpu.memory_space<vmem>>[vector<16xi32>], vector<16xf32>,
          %mul3A_204 = arith.mulf %mul3A_41, %gather3A_203 : vector<16xf32>
          %add3A_205 = arith.addf %mul3A_201, %mul3A_204 : vector<16xf32>
          %broadcast_in_dim3A_206 = vector.broadcast %add3A_196 : i32 to vector<16xi32>
          %gather3A_207 = tpu.vector_load_idx %arg16[%broadcast_in_dim3A_206] : memref<4104xf32, #tpu.memory_space<vmem>>[vector<16xi32>], vector<16xf32>,
          %mul3A_208 = arith.mulf %mul3A_44, %gather3A_207 : vector<16xf32>
          %add3A_209 = arith.addf %add3A_205, %mul3A_208 : vector<16xf32>
          %sub3A_210 = arith.subf %gather3A_198, %add3A_209 : vector<16xf32>
          %broadcast_in_dim3A_211 = vector.broadcast %add3A_196 : i32 to vector<16xi32>
          %gather3A_212 = tpu.vector_load_idx %arg17[%broadcast_in_dim3A_211] : memref<4104xi32, #tpu.memory_space<vmem>>[vector<16xi32>], vector<16xi32>,
          %eq3A_213 = arith.cmpi eq, %get3A_46, %gather3A_212 : vector<16xi32>
          %select_n3A_214 = arith.select %eq3A_213, %broadcast_in_dim3A_7, %broadcast_in_dim3A_9 : vector<16xi1>, vector<16xf32>
          %add3A_215 = arith.addf %sub3A_210, %select_n3A_214 : vector<16xf32>
          %broadcast_in_dim3A_216 = vector.broadcast %add3A_196 : i32 to vector<16xi32>
          %lt3A_217 = arith.cmpf olt, %add3A_215, %select_n3A_186 : vector<16xf32>
          %lt3A_218 = arith.cmpf olt, %add3A_215, %select_n3A_190 : vector<16xf32>
          %lt3A_219 = arith.cmpf olt, %add3A_215, %select_n3A_193 : vector<16xf32>
          %select_n3A_220 = arith.select %lt3A_217, %add3A_215, %select_n3A_186 : vector<16xi1>, vector<16xf32>
          %select_n3A_221 = arith.select %lt3A_218, %select_n3A_190, %select_n3A_220 : vector<16xi1>, vector<16xf32>
          %select_n3A_222 = arith.select %lt3A_217, %broadcast_in_dim3A_216, %select_n3A_188 : vector<16xi1>, vector<16xi32>
          %select_n3A_223 = arith.select %lt3A_218, %select_n3A_192, %select_n3A_222 : vector<16xi1>, vector<16xi32>
          %select_n3A_224 = arith.select %lt3A_218, %add3A_215, %select_n3A_190 : vector<16xi1>, vector<16xf32>
          %select_n3A_225 = arith.select %lt3A_219, %select_n3A_193, %select_n3A_224 : vector<16xi1>, vector<16xf32>
          %select_n3A_226 = arith.select %lt3A_218, %broadcast_in_dim3A_216, %select_n3A_192 : vector<16xi1>, vector<16xi32>
          %select_n3A_227 = arith.select %lt3A_219, %select_n3A_194, %select_n3A_226 : vector<16xi1>, vector<16xi32>
          %select_n3A_228 = arith.select %lt3A_219, %add3A_215, %select_n3A_193 : vector<16xi1>, vector<16xf32>
          %select_n3A_229 = arith.select %lt3A_219, %broadcast_in_dim3A_216, %select_n3A_194 : vector<16xi1>, vector<16xi32>
          %add3A_230 = arith.constant 2 : i32
          %add3A_231 = arith.addi %add3A_160, %add3A_230 : i32
          %broadcast_in_dim3A_232 = vector.broadcast %add3A_231 : i32 to vector<16xi32>
          %gather3A_233 = tpu.vector_load_idx %arg18[%broadcast_in_dim3A_232] : memref<4104xf32, #tpu.memory_space<vmem>>[vector<16xi32>], vector<16xf32>,
          %broadcast_in_dim3A_234 = vector.broadcast %add3A_231 : i32 to vector<16xi32>
          %gather3A_235 = tpu.vector_load_idx %arg14[%broadcast_in_dim3A_234] : memref<4104xf32, #tpu.memory_space<vmem>>[vector<16xi32>], vector<16xf32>,
          %mul3A_236 = arith.mulf %mul3A_38, %gather3A_235 : vector<16xf32>
          %broadcast_in_dim3A_237 = vector.broadcast %add3A_231 : i32 to vector<16xi32>
          %gather3A_238 = tpu.vector_load_idx %arg15[%broadcast_in_dim3A_237] : memref<4104xf32, #tpu.memory_space<vmem>>[vector<16xi32>], vector<16xf32>,
          %mul3A_239 = arith.mulf %mul3A_41, %gather3A_238 : vector<16xf32>
          %add3A_240 = arith.addf %mul3A_236, %mul3A_239 : vector<16xf32>
          %broadcast_in_dim3A_241 = vector.broadcast %add3A_231 : i32 to vector<16xi32>
          %gather3A_242 = tpu.vector_load_idx %arg16[%broadcast_in_dim3A_241] : memref<4104xf32, #tpu.memory_space<vmem>>[vector<16xi32>], vector<16xf32>,
          %mul3A_243 = arith.mulf %mul3A_44, %gather3A_242 : vector<16xf32>
          %add3A_244 = arith.addf %add3A_240, %mul3A_243 : vector<16xf32>
          %sub3A_245 = arith.subf %gather3A_233, %add3A_244 : vector<16xf32>
          %broadcast_in_dim3A_246 = vector.broadcast %add3A_231 : i32 to vector<16xi32>
          %gather3A_247 = tpu.vector_load_idx %arg17[%broadcast_in_dim3A_246] : memref<4104xi32, #tpu.memory_space<vmem>>[vector<16xi32>], vector<16xi32>,
          %eq3A_248 = arith.cmpi eq, %get3A_46, %gather3A_247 : vector<16xi32>
          %select_n3A_249 = arith.select %eq3A_248, %broadcast_in_dim3A_7, %broadcast_in_dim3A_9 : vector<16xi1>, vector<16xf32>
          %add3A_250 = arith.addf %sub3A_245, %select_n3A_249 : vector<16xf32>
          %broadcast_in_dim3A_251 = vector.broadcast %add3A_231 : i32 to vector<16xi32>
          %lt3A_252 = arith.cmpf olt, %add3A_250, %select_n3A_221 : vector<16xf32>
          %lt3A_253 = arith.cmpf olt, %add3A_250, %select_n3A_225 : vector<16xf32>
          %lt3A_254 = arith.cmpf olt, %add3A_250, %select_n3A_228 : vector<16xf32>
          %select_n3A_255 = arith.select %lt3A_252, %add3A_250, %select_n3A_221 : vector<16xi1>, vector<16xf32>
          %select_n3A_256 = arith.select %lt3A_253, %select_n3A_225, %select_n3A_255 : vector<16xi1>, vector<16xf32>
          %select_n3A_257 = arith.select %lt3A_252, %broadcast_in_dim3A_251, %select_n3A_223 : vector<16xi1>, vector<16xi32>
          %select_n3A_258 = arith.select %lt3A_253, %select_n3A_227, %select_n3A_257 : vector<16xi1>, vector<16xi32>
          %select_n3A_259 = arith.select %lt3A_253, %add3A_250, %select_n3A_225 : vector<16xi1>, vector<16xf32>
          %select_n3A_260 = arith.select %lt3A_254, %select_n3A_228, %select_n3A_259 : vector<16xi1>, vector<16xf32>
          %select_n3A_261 = arith.select %lt3A_253, %broadcast_in_dim3A_251, %select_n3A_227 : vector<16xi1>, vector<16xi32>
          %select_n3A_262 = arith.select %lt3A_254, %select_n3A_229, %select_n3A_261 : vector<16xi1>, vector<16xi32>
          %select_n3A_263 = arith.select %lt3A_254, %add3A_250, %select_n3A_228 : vector<16xi1>, vector<16xf32>
          %select_n3A_264 = arith.select %lt3A_254, %broadcast_in_dim3A_251, %select_n3A_229 : vector<16xi1>, vector<16xi32>
          %add3A_265 = arith.constant 3 : i32
          %add3A_266 = arith.addi %add3A_160, %add3A_265 : i32
          %broadcast_in_dim3A_267 = vector.broadcast %add3A_266 : i32 to vector<16xi32>
          %gather3A_268 = tpu.vector_load_idx %arg18[%broadcast_in_dim3A_267] : memref<4104xf32, #tpu.memory_space<vmem>>[vector<16xi32>], vector<16xf32>,
          %broadcast_in_dim3A_269 = vector.broadcast %add3A_266 : i32 to vector<16xi32>
          %gather3A_270 = tpu.vector_load_idx %arg14[%broadcast_in_dim3A_269] : memref<4104xf32, #tpu.memory_space<vmem>>[vector<16xi32>], vector<16xf32>,
          %mul3A_271 = arith.mulf %mul3A_38, %gather3A_270 : vector<16xf32>
          %broadcast_in_dim3A_272 = vector.broadcast %add3A_266 : i32 to vector<16xi32>
          %gather3A_273 = tpu.vector_load_idx %arg15[%broadcast_in_dim3A_272] : memref<4104xf32, #tpu.memory_space<vmem>>[vector<16xi32>], vector<16xf32>,
          %mul3A_274 = arith.mulf %mul3A_41, %gather3A_273 : vector<16xf32>
          %add3A_275 = arith.addf %mul3A_271, %mul3A_274 : vector<16xf32>
          %broadcast_in_dim3A_276 = vector.broadcast %add3A_266 : i32 to vector<16xi32>
          %gather3A_277 = tpu.vector_load_idx %arg16[%broadcast_in_dim3A_276] : memref<4104xf32, #tpu.memory_space<vmem>>[vector<16xi32>], vector<16xf32>,
          %mul3A_278 = arith.mulf %mul3A_44, %gather3A_277 : vector<16xf32>
          %add3A_279 = arith.addf %add3A_275, %mul3A_278 : vector<16xf32>
          %sub3A_280 = arith.subf %gather3A_268, %add3A_279 : vector<16xf32>
          %broadcast_in_dim3A_281 = vector.broadcast %add3A_266 : i32 to vector<16xi32>
          %gather3A_282 = tpu.vector_load_idx %arg17[%broadcast_in_dim3A_281] : memref<4104xi32, #tpu.memory_space<vmem>>[vector<16xi32>], vector<16xi32>,
          %eq3A_283 = arith.cmpi eq, %get3A_46, %gather3A_282 : vector<16xi32>
          %select_n3A_284 = arith.select %eq3A_283, %broadcast_in_dim3A_7, %broadcast_in_dim3A_9 : vector<16xi1>, vector<16xf32>
          %add3A_285 = arith.addf %sub3A_280, %select_n3A_284 : vector<16xf32>
          %broadcast_in_dim3A_286 = vector.broadcast %add3A_266 : i32 to vector<16xi32>
          %lt3A_287 = arith.cmpf olt, %add3A_285, %select_n3A_256 : vector<16xf32>
          %lt3A_288 = arith.cmpf olt, %add3A_285, %select_n3A_260 : vector<16xf32>
          %lt3A_289 = arith.cmpf olt, %add3A_285, %select_n3A_263 : vector<16xf32>
          %select_n3A_290 = arith.select %lt3A_287, %add3A_285, %select_n3A_256 : vector<16xi1>, vector<16xf32>
          %select_n3A_291 = arith.select %lt3A_288, %select_n3A_260, %select_n3A_290 : vector<16xi1>, vector<16xf32>
          %select_n3A_292 = arith.select %lt3A_287, %broadcast_in_dim3A_286, %select_n3A_258 : vector<16xi1>, vector<16xi32>
          %select_n3A_293 = arith.select %lt3A_288, %select_n3A_262, %select_n3A_292 : vector<16xi1>, vector<16xi32>
          %select_n3A_294 = arith.select %lt3A_288, %add3A_285, %select_n3A_260 : vector<16xi1>, vector<16xf32>
          %select_n3A_295 = arith.select %lt3A_289, %select_n3A_263, %select_n3A_294 : vector<16xi1>, vector<16xf32>
          %select_n3A_296 = arith.select %lt3A_288, %broadcast_in_dim3A_286, %select_n3A_262 : vector<16xi1>, vector<16xi32>
          %select_n3A_297 = arith.select %lt3A_289, %select_n3A_264, %select_n3A_296 : vector<16xi1>, vector<16xi32>
          %select_n3A_298 = arith.select %lt3A_289, %add3A_285, %select_n3A_263 : vector<16xi1>, vector<16xf32>
          %select_n3A_299 = arith.select %lt3A_289, %broadcast_in_dim3A_286, %select_n3A_264 : vector<16xi1>, vector<16xi32>
          scf.yield %select_n3A_298, %select_n3A_295, %select_n3A_291, %select_n3A_299, %select_n3A_297, %select_n3A_293 : vector<16xf32>, vector<16xf32>, vector<16xf32>, vector<16xi32>, vector<16xi32>, vector<16xi32>
        }
        %while3A_149 = arith.constant 1 : i32
        %while3A_150:6 = scf.for %while3A_151 = %while3A_146 to %while3A_142 step %while3A_149 iter_args(%while3A_152 = %while3A_148#0, %while3A_153 = %while3A_148#1, %while3A_154 = %while3A_148#2, %while3A_155 = %while3A_148#3, %while3A_156 = %while3A_148#4, %while3A_157 = %while3A_148#5) -> (vector<16xf32>, vector<16xf32>, vector<16xf32>, vector<16xi32>, vector<16xi32>, vector<16xi32>)  : i32 {
          %mul3A_158 = arith.constant 4 : i32
          %mul3A_159 = arith.muli %while3A_151, %mul3A_158 : i32
          %add3A_160 = arith.addi %squeeze3A, %mul3A_159 : i32
          %add3A_161 = arith.constant 0 : i32
          %add3A_162 = arith.addi %add3A_160, %add3A_161 : i32
          %broadcast_in_dim3A_163 = vector.broadcast %add3A_162 : i32 to vector<16xi32>
          %gather3A_164 = tpu.vector_load_idx %arg18[%broadcast_in_dim3A_163] : memref<4104xf32, #tpu.memory_space<vmem>>[vector<16xi32>], vector<16xf32>,
          %broadcast_in_dim3A_165 = vector.broadcast %add3A_162 : i32 to vector<16xi32>
          %gather3A_166 = tpu.vector_load_idx %arg14[%broadcast_in_dim3A_165] : memref<4104xf32, #tpu.memory_space<vmem>>[vector<16xi32>], vector<16xf32>,
          %mul3A_167 = arith.mulf %mul3A_38, %gather3A_166 : vector<16xf32>
          %broadcast_in_dim3A_168 = vector.broadcast %add3A_162 : i32 to vector<16xi32>
          %gather3A_169 = tpu.vector_load_idx %arg15[%broadcast_in_dim3A_168] : memref<4104xf32, #tpu.memory_space<vmem>>[vector<16xi32>], vector<16xf32>,
          %mul3A_170 = arith.mulf %mul3A_41, %gather3A_169 : vector<16xf32>
          %add3A_171 = arith.addf %mul3A_167, %mul3A_170 : vector<16xf32>
          %broadcast_in_dim3A_172 = vector.broadcast %add3A_162 : i32 to vector<16xi32>
          %gather3A_173 = tpu.vector_load_idx %arg16[%broadcast_in_dim3A_172] : memref<4104xf32, #tpu.memory_space<vmem>>[vector<16xi32>], vector<16xf32>,
          %mul3A_174 = arith.mulf %mul3A_44, %gather3A_173 : vector<16xf32>
          %add3A_175 = arith.addf %add3A_171, %mul3A_174 : vector<16xf32>
          %sub3A_176 = arith.subf %gather3A_164, %add3A_175 : vector<16xf32>
          %broadcast_in_dim3A_177 = vector.broadcast %add3A_162 : i32 to vector<16xi32>
          %gather3A_178 = tpu.vector_load_idx %arg17[%broadcast_in_dim3A_177] : memref<4104xi32, #tpu.memory_space<vmem>>[vector<16xi32>], vector<16xi32>,
          %eq3A_179 = arith.cmpi eq, %get3A_46, %gather3A_178 : vector<16xi32>
          %select_n3A_180 = arith.select %eq3A_179, %broadcast_in_dim3A_7, %broadcast_in_dim3A_9 : vector<16xi1>, vector<16xf32>
          %add3A_181 = arith.addf %sub3A_176, %select_n3A_180 : vector<16xf32>
          %broadcast_in_dim3A_182 = vector.broadcast %add3A_162 : i32 to vector<16xi32>
          %lt3A = arith.cmpf olt, %add3A_181, %while3A_154 : vector<16xf32>
          %lt3A_183 = arith.cmpf olt, %add3A_181, %while3A_153 : vector<16xf32>
          %lt3A_184 = arith.cmpf olt, %add3A_181, %while3A_152 : vector<16xf32>
          %select_n3A_185 = arith.select %lt3A, %add3A_181, %while3A_154 : vector<16xi1>, vector<16xf32>
          %select_n3A_186 = arith.select %lt3A_183, %while3A_153, %select_n3A_185 : vector<16xi1>, vector<16xf32>
          %select_n3A_187 = arith.select %lt3A, %broadcast_in_dim3A_182, %while3A_157 : vector<16xi1>, vector<16xi32>
          %select_n3A_188 = arith.select %lt3A_183, %while3A_156, %select_n3A_187 : vector<16xi1>, vector<16xi32>
          %select_n3A_189 = arith.select %lt3A_183, %add3A_181, %while3A_153 : vector<16xi1>, vector<16xf32>
          %select_n3A_190 = arith.select %lt3A_184, %while3A_152, %select_n3A_189 : vector<16xi1>, vector<16xf32>
          %select_n3A_191 = arith.select %lt3A_183, %broadcast_in_dim3A_182, %while3A_156 : vector<16xi1>, vector<16xi32>
          %select_n3A_192 = arith.select %lt3A_184, %while3A_155, %select_n3A_191 : vector<16xi1>, vector<16xi32>
          %select_n3A_193 = arith.select %lt3A_184, %add3A_181, %while3A_152 : vector<16xi1>, vector<16xf32>
          %select_n3A_194 = arith.select %lt3A_184, %broadcast_in_dim3A_182, %while3A_155 : vector<16xi1>, vector<16xi32>
          %add3A_195 = arith.constant 1 : i32
          %add3A_196 = arith.addi %add3A_160, %add3A_195 : i32
          %broadcast_in_dim3A_197 = vector.broadcast %add3A_196 : i32 to vector<16xi32>
          %gather3A_198 = tpu.vector_load_idx %arg18[%broadcast_in_dim3A_197] : memref<4104xf32, #tpu.memory_space<vmem>>[vector<16xi32>], vector<16xf32>,
          %broadcast_in_dim3A_199 = vector.broadcast %add3A_196 : i32 to vector<16xi32>
          %gather3A_200 = tpu.vector_load_idx %arg14[%broadcast_in_dim3A_199] : memref<4104xf32, #tpu.memory_space<vmem>>[vector<16xi32>], vector<16xf32>,
          %mul3A_201 = arith.mulf %mul3A_38, %gather3A_200 : vector<16xf32>
          %broadcast_in_dim3A_202 = vector.broadcast %add3A_196 : i32 to vector<16xi32>
          %gather3A_203 = tpu.vector_load_idx %arg15[%broadcast_in_dim3A_202] : memref<4104xf32, #tpu.memory_space<vmem>>[vector<16xi32>], vector<16xf32>,
          %mul3A_204 = arith.mulf %mul3A_41, %gather3A_203 : vector<16xf32>
          %add3A_205 = arith.addf %mul3A_201, %mul3A_204 : vector<16xf32>
          %broadcast_in_dim3A_206 = vector.broadcast %add3A_196 : i32 to vector<16xi32>
          %gather3A_207 = tpu.vector_load_idx %arg16[%broadcast_in_dim3A_206] : memref<4104xf32, #tpu.memory_space<vmem>>[vector<16xi32>], vector<16xf32>,
          %mul3A_208 = arith.mulf %mul3A_44, %gather3A_207 : vector<16xf32>
          %add3A_209 = arith.addf %add3A_205, %mul3A_208 : vector<16xf32>
          %sub3A_210 = arith.subf %gather3A_198, %add3A_209 : vector<16xf32>
          %broadcast_in_dim3A_211 = vector.broadcast %add3A_196 : i32 to vector<16xi32>
          %gather3A_212 = tpu.vector_load_idx %arg17[%broadcast_in_dim3A_211] : memref<4104xi32, #tpu.memory_space<vmem>>[vector<16xi32>], vector<16xi32>,
          %eq3A_213 = arith.cmpi eq, %get3A_46, %gather3A_212 : vector<16xi32>
          %select_n3A_214 = arith.select %eq3A_213, %broadcast_in_dim3A_7, %broadcast_in_dim3A_9 : vector<16xi1>, vector<16xf32>
          %add3A_215 = arith.addf %sub3A_210, %select_n3A_214 : vector<16xf32>
          %broadcast_in_dim3A_216 = vector.broadcast %add3A_196 : i32 to vector<16xi32>
          %lt3A_217 = arith.cmpf olt, %add3A_215, %select_n3A_186 : vector<16xf32>
          %lt3A_218 = arith.cmpf olt, %add3A_215, %select_n3A_190 : vector<16xf32>
          %lt3A_219 = arith.cmpf olt, %add3A_215, %select_n3A_193 : vector<16xf32>
          %select_n3A_220 = arith.select %lt3A_217, %add3A_215, %select_n3A_186 : vector<16xi1>, vector<16xf32>
          %select_n3A_221 = arith.select %lt3A_218, %select_n3A_190, %select_n3A_220 : vector<16xi1>, vector<16xf32>
          %select_n3A_222 = arith.select %lt3A_217, %broadcast_in_dim3A_216, %select_n3A_188 : vector<16xi1>, vector<16xi32>
          %select_n3A_223 = arith.select %lt3A_218, %select_n3A_192, %select_n3A_222 : vector<16xi1>, vector<16xi32>
          %select_n3A_224 = arith.select %lt3A_218, %add3A_215, %select_n3A_190 : vector<16xi1>, vector<16xf32>
          %select_n3A_225 = arith.select %lt3A_219, %select_n3A_193, %select_n3A_224 : vector<16xi1>, vector<16xf32>
          %select_n3A_226 = arith.select %lt3A_218, %broadcast_in_dim3A_216, %select_n3A_192 : vector<16xi1>, vector<16xi32>
          %select_n3A_227 = arith.select %lt3A_219, %select_n3A_194, %select_n3A_226 : vector<16xi1>, vector<16xi32>
          %select_n3A_228 = arith.select %lt3A_219, %add3A_215, %select_n3A_193 : vector<16xi1>, vector<16xf32>
          %select_n3A_229 = arith.select %lt3A_219, %broadcast_in_dim3A_216, %select_n3A_194 : vector<16xi1>, vector<16xi32>
          %add3A_230 = arith.constant 2 : i32
          %add3A_231 = arith.addi %add3A_160, %add3A_230 : i32
          %broadcast_in_dim3A_232 = vector.broadcast %add3A_231 : i32 to vector<16xi32>
          %gather3A_233 = tpu.vector_load_idx %arg18[%broadcast_in_dim3A_232] : memref<4104xf32, #tpu.memory_space<vmem>>[vector<16xi32>], vector<16xf32>,
          %broadcast_in_dim3A_234 = vector.broadcast %add3A_231 : i32 to vector<16xi32>
          %gather3A_235 = tpu.vector_load_idx %arg14[%broadcast_in_dim3A_234] : memref<4104xf32, #tpu.memory_space<vmem>>[vector<16xi32>], vector<16xf32>,
          %mul3A_236 = arith.mulf %mul3A_38, %gather3A_235 : vector<16xf32>
          %broadcast_in_dim3A_237 = vector.broadcast %add3A_231 : i32 to vector<16xi32>
          %gather3A_238 = tpu.vector_load_idx %arg15[%broadcast_in_dim3A_237] : memref<4104xf32, #tpu.memory_space<vmem>>[vector<16xi32>], vector<16xf32>,
          %mul3A_239 = arith.mulf %mul3A_41, %gather3A_238 : vector<16xf32>
          %add3A_240 = arith.addf %mul3A_236, %mul3A_239 : vector<16xf32>
          %broadcast_in_dim3A_241 = vector.broadcast %add3A_231 : i32 to vector<16xi32>
          %gather3A_242 = tpu.vector_load_idx %arg16[%broadcast_in_dim3A_241] : memref<4104xf32, #tpu.memory_space<vmem>>[vector<16xi32>], vector<16xf32>,
          %mul3A_243 = arith.mulf %mul3A_44, %gather3A_242 : vector<16xf32>
          %add3A_244 = arith.addf %add3A_240, %mul3A_243 : vector<16xf32>
          %sub3A_245 = arith.subf %gather3A_233, %add3A_244 : vector<16xf32>
          %broadcast_in_dim3A_246 = vector.broadcast %add3A_231 : i32 to vector<16xi32>
          %gather3A_247 = tpu.vector_load_idx %arg17[%broadcast_in_dim3A_246] : memref<4104xi32, #tpu.memory_space<vmem>>[vector<16xi32>], vector<16xi32>,
          %eq3A_248 = arith.cmpi eq, %get3A_46, %gather3A_247 : vector<16xi32>
          %select_n3A_249 = arith.select %eq3A_248, %broadcast_in_dim3A_7, %broadcast_in_dim3A_9 : vector<16xi1>, vector<16xf32>
          %add3A_250 = arith.addf %sub3A_245, %select_n3A_249 : vector<16xf32>
          %broadcast_in_dim3A_251 = vector.broadcast %add3A_231 : i32 to vector<16xi32>
          %lt3A_252 = arith.cmpf olt, %add3A_250, %select_n3A_221 : vector<16xf32>
          %lt3A_253 = arith.cmpf olt, %add3A_250, %select_n3A_225 : vector<16xf32>
          %lt3A_254 = arith.cmpf olt, %add3A_250, %select_n3A_228 : vector<16xf32>
          %select_n3A_255 = arith.select %lt3A_252, %add3A_250, %select_n3A_221 : vector<16xi1>, vector<16xf32>
          %select_n3A_256 = arith.select %lt3A_253, %select_n3A_225, %select_n3A_255 : vector<16xi1>, vector<16xf32>
          %select_n3A_257 = arith.select %lt3A_252, %broadcast_in_dim3A_251, %select_n3A_223 : vector<16xi1>, vector<16xi32>
          %select_n3A_258 = arith.select %lt3A_253, %select_n3A_227, %select_n3A_257 : vector<16xi1>, vector<16xi32>
          %select_n3A_259 = arith.select %lt3A_253, %add3A_250, %select_n3A_225 : vector<16xi1>, vector<16xf32>
          %select_n3A_260 = arith.select %lt3A_254, %select_n3A_228, %select_n3A_259 : vector<16xi1>, vector<16xf32>
          %select_n3A_261 = arith.select %lt3A_253, %broadcast_in_dim3A_251, %select_n3A_227 : vector<16xi1>, vector<16xi32>
          %select_n3A_262 = arith.select %lt3A_254, %select_n3A_229, %select_n3A_261 : vector<16xi1>, vector<16xi32>
          %select_n3A_263 = arith.select %lt3A_254, %add3A_250, %select_n3A_228 : vector<16xi1>, vector<16xf32>
          %select_n3A_264 = arith.select %lt3A_254, %broadcast_in_dim3A_251, %select_n3A_229 : vector<16xi1>, vector<16xi32>
          %add3A_265 = arith.constant 3 : i32
          %add3A_266 = arith.addi %add3A_160, %add3A_265 : i32
          %broadcast_in_dim3A_267 = vector.broadcast %add3A_266 : i32 to vector<16xi32>
          %gather3A_268 = tpu.vector_load_idx %arg18[%broadcast_in_dim3A_267] : memref<4104xf32, #tpu.memory_space<vmem>>[vector<16xi32>], vector<16xf32>,
          %broadcast_in_dim3A_269 = vector.broadcast %add3A_266 : i32 to vector<16xi32>
          %gather3A_270 = tpu.vector_load_idx %arg14[%broadcast_in_dim3A_269] : memref<4104xf32, #tpu.memory_space<vmem>>[vector<16xi32>], vector<16xf32>,
          %mul3A_271 = arith.mulf %mul3A_38, %gather3A_270 : vector<16xf32>
          %broadcast_in_dim3A_272 = vector.broadcast %add3A_266 : i32 to vector<16xi32>
          %gather3A_273 = tpu.vector_load_idx %arg15[%broadcast_in_dim3A_272] : memref<4104xf32, #tpu.memory_space<vmem>>[vector<16xi32>], vector<16xf32>,
          %mul3A_274 = arith.mulf %mul3A_41, %gather3A_273 : vector<16xf32>
          %add3A_275 = arith.addf %mul3A_271, %mul3A_274 : vector<16xf32>
          %broadcast_in_dim3A_276 = vector.broadcast %add3A_266 : i32 to vector<16xi32>
          %gather3A_277 = tpu.vector_load_idx %arg16[%broadcast_in_dim3A_276] : memref<4104xf32, #tpu.memory_space<vmem>>[vector<16xi32>], vector<16xf32>,
          %mul3A_278 = arith.mulf %mul3A_44, %gather3A_277 : vector<16xf32>
          %add3A_279 = arith.addf %add3A_275, %mul3A_278 : vector<16xf32>
          %sub3A_280 = arith.subf %gather3A_268, %add3A_279 : vector<16xf32>
          %broadcast_in_dim3A_281 = vector.broadcast %add3A_266 : i32 to vector<16xi32>
          %gather3A_282 = tpu.vector_load_idx %arg17[%broadcast_in_dim3A_281] : memref<4104xi32, #tpu.memory_space<vmem>>[vector<16xi32>], vector<16xi32>,
          %eq3A_283 = arith.cmpi eq, %get3A_46, %gather3A_282 : vector<16xi32>
          %select_n3A_284 = arith.select %eq3A_283, %broadcast_in_dim3A_7, %broadcast_in_dim3A_9 : vector<16xi1>, vector<16xf32>
          %add3A_285 = arith.addf %sub3A_280, %select_n3A_284 : vector<16xf32>
          %broadcast_in_dim3A_286 = vector.broadcast %add3A_266 : i32 to vector<16xi32>
          %lt3A_287 = arith.cmpf olt, %add3A_285, %select_n3A_256 : vector<16xf32>
          %lt3A_288 = arith.cmpf olt, %add3A_285, %select_n3A_260 : vector<16xf32>
          %lt3A_289 = arith.cmpf olt, %add3A_285, %select_n3A_263 : vector<16xf32>
          %select_n3A_290 = arith.select %lt3A_287, %add3A_285, %select_n3A_256 : vector<16xi1>, vector<16xf32>
          %select_n3A_291 = arith.select %lt3A_288, %select_n3A_260, %select_n3A_290 : vector<16xi1>, vector<16xf32>
          %select_n3A_292 = arith.select %lt3A_287, %broadcast_in_dim3A_286, %select_n3A_258 : vector<16xi1>, vector<16xi32>
          %select_n3A_293 = arith.select %lt3A_288, %select_n3A_262, %select_n3A_292 : vector<16xi1>, vector<16xi32>
          %select_n3A_294 = arith.select %lt3A_288, %add3A_285, %select_n3A_260 : vector<16xi1>, vector<16xf32>
          %select_n3A_295 = arith.select %lt3A_289, %select_n3A_263, %select_n3A_294 : vector<16xi1>, vector<16xf32>
          %select_n3A_296 = arith.select %lt3A_288, %broadcast_in_dim3A_286, %select_n3A_262 : vector<16xi1>, vector<16xi32>
          %select_n3A_297 = arith.select %lt3A_289, %select_n3A_264, %select_n3A_296 : vector<16xi1>, vector<16xi32>
          %select_n3A_298 = arith.select %lt3A_289, %add3A_285, %select_n3A_263 : vector<16xi1>, vector<16xf32>
          %select_n3A_299 = arith.select %lt3A_289, %broadcast_in_dim3A_286, %select_n3A_264 : vector<16xi1>, vector<16xi32>
          scf.yield %select_n3A_298, %select_n3A_295, %select_n3A_291, %select_n3A_299, %select_n3A_297, %select_n3A_293 : vector<16xf32>, vector<16xf32>, vector<16xf32>, vector<16xi32>, vector<16xi32>, vector<16xi32>
        }
        scf.yield %while3A_150#0, %while3A_150#1, %while3A_150#2, %while3A_150#3, %while3A_150#4, %while3A_150#5 : vector<16xf32>, vector<16xf32>, vector<16xf32>, vector<16xi32>, vector<16xi32>, vector<16xi32>
      }
      %gather3A_56 = tpu.vector_load_idx %arg14[%cond3A_55#3] : memref<4104xf32, #tpu.memory_space<vmem>>[vector<16xi32>], vector<16xf32>,
      %gather3A_57 = tpu.vector_load_idx %arg15[%cond3A_55#3] : memref<4104xf32, #tpu.memory_space<vmem>>[vector<16xi32>], vector<16xf32>,
      %gather3A_58 = tpu.vector_load_idx %arg16[%cond3A_55#3] : memref<4104xf32, #tpu.memory_space<vmem>>[vector<16xi32>], vector<16xf32>,
      %sub3A = arith.subf %get3A_31, %gather3A_56 : vector<16xf32>
      %sub3A_59 = arith.subf %get3A_33, %gather3A_57 : vector<16xf32>
      %sub3A_60 = arith.subf %get3A_35, %gather3A_58 : vector<16xf32>
      %mul3A_61 = arith.mulf %sub3A, %sub3A : vector<16xf32>
      %mul3A_62 = arith.mulf %sub3A_59, %sub3A_59 : vector<16xf32>
      %add3A_63 = arith.addf %mul3A_61, %mul3A_62 : vector<16xf32>
      %mul3A_64 = arith.mulf %sub3A_60, %sub3A_60 : vector<16xf32>
      %add3A_65 = arith.addf %add3A_63, %mul3A_64 : vector<16xf32>
      %max3A = arith.constant 1.000000e-16 : f32
      %max3A_66 = vector.broadcast %max3A : f32 to vector<16xf32>
      %max3A_67 = arith.maximumf %add3A_65, %max3A_66 : vector<16xf32>
      %div3A = arith.constant 1.000000e+00 : f32
      %div3A_68 = vector.broadcast %div3A : f32 to vector<16xf32>
      %div3A_69 = arith.divf %div3A_68, %max3A_67 : vector<16xf32>
      %gather3A_70 = tpu.vector_load_idx %arg14[%cond3A_55#4] : memref<4104xf32, #tpu.memory_space<vmem>>[vector<16xi32>], vector<16xf32>,
      %gather3A_71 = tpu.vector_load_idx %arg15[%cond3A_55#4] : memref<4104xf32, #tpu.memory_space<vmem>>[vector<16xi32>], vector<16xf32>,
      %gather3A_72 = tpu.vector_load_idx %arg16[%cond3A_55#4] : memref<4104xf32, #tpu.memory_space<vmem>>[vector<16xi32>], vector<16xf32>,
      %sub3A_73 = arith.subf %get3A_31, %gather3A_70 : vector<16xf32>
      %sub3A_74 = arith.subf %get3A_33, %gather3A_71 : vector<16xf32>
      %sub3A_75 = arith.subf %get3A_35, %gather3A_72 : vector<16xf32>
      %mul3A_76 = arith.mulf %sub3A_73, %sub3A_73 : vector<16xf32>
      %mul3A_77 = arith.mulf %sub3A_74, %sub3A_74 : vector<16xf32>
      %add3A_78 = arith.addf %mul3A_76, %mul3A_77 : vector<16xf32>
      %mul3A_79 = arith.mulf %sub3A_75, %sub3A_75 : vector<16xf32>
      %add3A_80 = arith.addf %add3A_78, %mul3A_79 : vector<16xf32>
      %max3A_81 = arith.constant 1.000000e-16 : f32
      %max3A_82 = vector.broadcast %max3A_81 : f32 to vector<16xf32>
      %max3A_83 = arith.maximumf %add3A_80, %max3A_82 : vector<16xf32>
      %div3A_84 = arith.constant 1.000000e+00 : f32
      %div3A_85 = vector.broadcast %div3A_84 : f32 to vector<16xf32>
      %div3A_86 = arith.divf %div3A_85, %max3A_83 : vector<16xf32>
      %gather3A_87 = tpu.vector_load_idx %arg14[%cond3A_55#5] : memref<4104xf32, #tpu.memory_space<vmem>>[vector<16xi32>], vector<16xf32>,
      %gather3A_88 = tpu.vector_load_idx %arg15[%cond3A_55#5] : memref<4104xf32, #tpu.memory_space<vmem>>[vector<16xi32>], vector<16xf32>,
      %gather3A_89 = tpu.vector_load_idx %arg16[%cond3A_55#5] : memref<4104xf32, #tpu.memory_space<vmem>>[vector<16xi32>], vector<16xf32>,
      %sub3A_90 = arith.subf %get3A_31, %gather3A_87 : vector<16xf32>
      %sub3A_91 = arith.subf %get3A_33, %gather3A_88 : vector<16xf32>
      %sub3A_92 = arith.subf %get3A_35, %gather3A_89 : vector<16xf32>
      %mul3A_93 = arith.mulf %sub3A_90, %sub3A_90 : vector<16xf32>
      %mul3A_94 = arith.mulf %sub3A_91, %sub3A_91 : vector<16xf32>
      %add3A_95 = arith.addf %mul3A_93, %mul3A_94 : vector<16xf32>
      %mul3A_96 = arith.mulf %sub3A_92, %sub3A_92 : vector<16xf32>
      %add3A_97 = arith.addf %add3A_95, %mul3A_96 : vector<16xf32>
      %max3A_98 = arith.constant 1.000000e-16 : f32
      %max3A_99 = vector.broadcast %max3A_98 : f32 to vector<16xf32>
      %max3A_100 = arith.maximumf %add3A_97, %max3A_99 : vector<16xf32>
      %div3A_101 = arith.constant 1.000000e+00 : f32
      %div3A_102 = vector.broadcast %div3A_101 : f32 to vector<16xf32>
      %div3A_103 = arith.divf %div3A_102, %max3A_100 : vector<16xf32>
      %add3A_104 = arith.addf %div3A_69, %div3A_86 : vector<16xf32>
      %add3A_105 = arith.addf %add3A_104, %div3A_103 : vector<16xf32>
      %swap3A = arith.index_cast %mul3A_30 : i32 to index
      %swap3A_106 = tpu.vector_load %arg25[%swap3A] {strides = array<i32>} : memref<512xi32, #tpu.memory_space<vmem>>, vector<16xi32>,
      tpu.vector_store %arg25[%swap3A], %cond3A_55#3 {strides = array<i32>} : memref<512xi32, #tpu.memory_space<vmem>>, vector<16xi32>,
      %swap3A_107 = arith.index_cast %mul3A_30 : i32 to index
      %swap3A_108 = tpu.vector_load %arg26[%swap3A_107] {strides = array<i32>} : memref<512xi32, #tpu.memory_space<vmem>>, vector<16xi32>,
      tpu.vector_store %arg26[%swap3A_107], %cond3A_55#4 {strides = array<i32>} : memref<512xi32, #tpu.memory_space<vmem>>, vector<16xi32>,
      %swap3A_109 = arith.index_cast %mul3A_30 : i32 to index
      %swap3A_110 = tpu.vector_load %arg27[%swap3A_109] {strides = array<i32>} : memref<512xi32, #tpu.memory_space<vmem>>, vector<16xi32>,
      tpu.vector_store %arg27[%swap3A_109], %cond3A_55#5 {strides = array<i32>} : memref<512xi32, #tpu.memory_space<vmem>>, vector<16xi32>,
      %div3A_111 = arith.divf %div3A_69, %add3A_105 : vector<16xf32>
      %swap3A_112 = arith.index_cast %mul3A_30 : i32 to index
      %swap3A_113 = tpu.vector_load %arg28[%swap3A_112] {strides = array<i32>} : memref<512xf32, #tpu.memory_space<vmem>>, vector<16xf32>,
      tpu.vector_store %arg28[%swap3A_112], %div3A_111 {strides = array<i32>} : memref<512xf32, #tpu.memory_space<vmem>>, vector<16xf32>,
      %div3A_114 = arith.divf %div3A_86, %add3A_105 : vector<16xf32>
      %swap3A_115 = arith.index_cast %mul3A_30 : i32 to index
      %swap3A_116 = tpu.vector_load %arg29[%swap3A_115] {strides = array<i32>} : memref<512xf32, #tpu.memory_space<vmem>>, vector<16xf32>,
      tpu.vector_store %arg29[%swap3A_115], %div3A_114 {strides = array<i32>} : memref<512xf32, #tpu.memory_space<vmem>>, vector<16xf32>,
      %div3A_117 = arith.divf %div3A_103, %add3A_105 : vector<16xf32>
      %swap3A_118 = arith.index_cast %mul3A_30 : i32 to index
      %swap3A_119 = tpu.vector_load %arg30[%swap3A_118] {strides = array<i32>} : memref<512xf32, #tpu.memory_space<vmem>>, vector<16xf32>,
      tpu.vector_store %arg30[%swap3A_118], %div3A_117 {strides = array<i32>} : memref<512xf32, #tpu.memory_space<vmem>>, vector<16xf32>,
    }
    %scan3A_18 = arith.constant 32 : i32
    %scan3A_19 = arith.constant 0 : i32
    %scan3A_20 = arith.constant 8 : i32
    %scan3A_21 = arith.addi %scan3A_19, %scan3A_20 : i32
    %scan3A_22 = arith.constant 1 : i32
    scf.for %scan3A_24 = %scan3A_19 to %scan3A_21 step %scan3A_22  : i32 {
      %mul3A_25 = arith.constant 1 : i32
      %mul3A_26 = arith.muli %scan3A_24, %mul3A_25 : i32
      %add3A_27 = arith.constant 0 : i32
      %add3A_28 = arith.addi %add3A_27, %mul3A_26 : i32
      %mul3A_29 = arith.constant 64 : i32
      %mul3A_30 = arith.muli %add3A_28, %mul3A_29 : i32
      %dma_start3A = tpu.memref_slice %arg25[%mul3A_30] : memref<512xi32, #tpu.memory_space<vmem>> -> memref<64xi32, #tpu.memory_space<vmem>>
      %dma_start3A_31 = arith.constant 0 : i32
      %dma_start3A_32 = arith.constant 0 : i32
      %dma_start3A_33 = tpu.memref_slice %arg12[%dma_start3A_31, %dma_start3A_32] : memref<4096x128xf32, #tpu.memory_space<hbm>> -> memref<4096x128xf32, #tpu.memory_space<hbm>>
      tpu.enqueue_indirect_dma source(%dma_start3A_33 : memref<4096x128xf32, #tpu.memory_space<hbm>>) target(%arg31 : memref<64x128xf32, #tpu.memory_space<vmem>>) offsets(%dma_start3A : memref<64xi32, #tpu.memory_space<vmem>>) semaphore(%arg35 : memref<!tpu.dma_semaphore, #tpu.memory_space<semaphore_mem>>)
      %dma_start3A_34 = tpu.memref_slice %arg26[%mul3A_30] : memref<512xi32, #tpu.memory_space<vmem>> -> memref<64xi32, #tpu.memory_space<vmem>>
      %dma_start3A_35 = arith.constant 0 : i32
      %dma_start3A_36 = arith.constant 0 : i32
      %dma_start3A_37 = tpu.memref_slice %arg12[%dma_start3A_35, %dma_start3A_36] : memref<4096x128xf32, #tpu.memory_space<hbm>> -> memref<4096x128xf32, #tpu.memory_space<hbm>>
      tpu.enqueue_indirect_dma source(%dma_start3A_37 : memref<4096x128xf32, #tpu.memory_space<hbm>>) target(%arg32 : memref<64x128xf32, #tpu.memory_space<vmem>>) offsets(%dma_start3A_34 : memref<64xi32, #tpu.memory_space<vmem>>) semaphore(%arg35 : memref<!tpu.dma_semaphore, #tpu.memory_space<semaphore_mem>>)
      %dma_start3A_38 = tpu.memref_slice %arg27[%mul3A_30] : memref<512xi32, #tpu.memory_space<vmem>> -> memref<64xi32, #tpu.memory_space<vmem>>
      %dma_start3A_39 = arith.constant 0 : i32
      %dma_start3A_40 = arith.constant 0 : i32
      %dma_start3A_41 = tpu.memref_slice %arg12[%dma_start3A_39, %dma_start3A_40] : memref<4096x128xf32, #tpu.memory_space<hbm>> -> memref<4096x128xf32, #tpu.memory_space<hbm>>
      tpu.enqueue_indirect_dma source(%dma_start3A_41 : memref<4096x128xf32, #tpu.memory_space<hbm>>) target(%arg33 : memref<64x128xf32, #tpu.memory_space<vmem>>) offsets(%dma_start3A_38 : memref<64xi32, #tpu.memory_space<vmem>>) semaphore(%arg35 : memref<!tpu.dma_semaphore, #tpu.memory_space<semaphore_mem>>)
      %dma_wait3A = tpu.memref_slice %arg25[%mul3A_30] : memref<512xi32, #tpu.memory_space<vmem>> -> memref<64xi32, #tpu.memory_space<vmem>>
      %dma_wait3A_42 = arith.constant 0 : i32
      %dma_wait3A_43 = arith.constant 0 : i32
      %dma_wait3A_44 = tpu.memref_slice %arg12[%dma_wait3A_42, %dma_wait3A_43] : memref<4096x128xf32, #tpu.memory_space<hbm>> -> memref<4096x128xf32, #tpu.memory_space<hbm>>
      tpu.wait_indirect_dma semaphore(%arg35 : memref<!tpu.dma_semaphore, #tpu.memory_space<semaphore_mem>>) src(%dma_wait3A_44 : memref<4096x128xf32, #tpu.memory_space<hbm>>) dst(%arg31 : memref<64x128xf32, #tpu.memory_space<vmem>>)
      %dma_wait3A_45 = tpu.memref_slice %arg26[%mul3A_30] : memref<512xi32, #tpu.memory_space<vmem>> -> memref<64xi32, #tpu.memory_space<vmem>>
      %dma_wait3A_46 = arith.constant 0 : i32
      %dma_wait3A_47 = arith.constant 0 : i32
      %dma_wait3A_48 = tpu.memref_slice %arg12[%dma_wait3A_46, %dma_wait3A_47] : memref<4096x128xf32, #tpu.memory_space<hbm>> -> memref<4096x128xf32, #tpu.memory_space<hbm>>
      tpu.wait_indirect_dma semaphore(%arg35 : memref<!tpu.dma_semaphore, #tpu.memory_space<semaphore_mem>>) src(%dma_wait3A_48 : memref<4096x128xf32, #tpu.memory_space<hbm>>) dst(%arg32 : memref<64x128xf32, #tpu.memory_space<vmem>>)
      %dma_wait3A_49 = tpu.memref_slice %arg27[%mul3A_30] : memref<512xi32, #tpu.memory_space<vmem>> -> memref<64xi32, #tpu.memory_space<vmem>>
      %dma_wait3A_50 = arith.constant 0 : i32
      %dma_wait3A_51 = arith.constant 0 : i32
      %dma_wait3A_52 = tpu.memref_slice %arg12[%dma_wait3A_50, %dma_wait3A_51] : memref<4096x128xf32, #tpu.memory_space<hbm>> -> memref<4096x128xf32, #tpu.memory_space<hbm>>
      tpu.wait_indirect_dma semaphore(%arg35 : memref<!tpu.dma_semaphore, #tpu.memory_space<semaphore_mem>>) src(%dma_wait3A_52 : memref<4096x128xf32, #tpu.memory_space<hbm>>) dst(%arg33 : memref<64x128xf32, #tpu.memory_space<vmem>>)
      %scan3A_53 = arith.constant 0 : i32
      %scan3A_54 = arith.constant 64 : i32
      %scan3A_55 = arith.addi %scan3A_53, %scan3A_54 : i32
      %scan3A_56 = arith.constant 1 : i32
      scf.for %scan3A_59 = %scan3A_53 to %scan3A_55 step %scan3A_56  : i32 {
        %mul3A_60 = arith.constant 1 : i32
        %mul3A_61 = arith.muli %scan3A_59, %mul3A_60 : i32
        %add3A_62 = arith.constant 0 : i32
        %add3A_63 = arith.addi %add3A_62, %mul3A_61 : i32
        %add3A_64 = arith.addi %mul3A_30, %add3A_63 : i32
        %broadcast_in_dim3A_65 = vector.broadcast %add3A_64 : i32 to vector<16xi32>
        %gather3A = tpu.vector_load_idx %arg28[%broadcast_in_dim3A_65] : memref<512xf32, #tpu.memory_space<vmem>>[vector<16xi32>], vector<16xf32>,
        %add3A_66 = arith.addi %mul3A_30, %add3A_63 : i32
        %broadcast_in_dim3A_67 = vector.broadcast %add3A_66 : i32 to vector<16xi32>
        %gather3A_68 = tpu.vector_load_idx %arg29[%broadcast_in_dim3A_67] : memref<512xf32, #tpu.memory_space<vmem>>[vector<16xi32>], vector<16xf32>,
        %add3A_69 = arith.addi %mul3A_30, %add3A_63 : i32
        %broadcast_in_dim3A_70 = vector.broadcast %add3A_69 : i32 to vector<16xi32>
        %gather3A_71 = tpu.vector_load_idx %arg30[%broadcast_in_dim3A_70] : memref<512xf32, #tpu.memory_space<vmem>>[vector<16xi32>], vector<16xf32>,
        %get3A = arith.index_cast %add3A_63 : i32 to index
        %get3A_72 = arith.constant 0 : index
        %get3A_73 = tpu.vector_load %arg31[%get3A, %get3A_72] {strides = array<i32>} : memref<64x128xf32, #tpu.memory_space<vmem>>, vector<16xf32>,
        %mul3A_74 = arith.mulf %gather3A, %get3A_73 : vector<16xf32>
        %get3A_75 = arith.index_cast %add3A_63 : i32 to index
        %get3A_76 = arith.constant 0 : index
        %get3A_77 = tpu.vector_load %arg32[%get3A_75, %get3A_76] {strides = array<i32>} : memref<64x128xf32, #tpu.memory_space<vmem>>, vector<16xf32>,
        %mul3A_78 = arith.mulf %gather3A_68, %get3A_77 : vector<16xf32>
        %add3A_79 = arith.addf %mul3A_74, %mul3A_78 : vector<16xf32>
        %get3A_80 = arith.index_cast %add3A_63 : i32 to index
        %get3A_81 = arith.constant 0 : index
        %get3A_82 = tpu.vector_load %arg33[%get3A_80, %get3A_81] {strides = array<i32>} : memref<64x128xf32, #tpu.memory_space<vmem>>, vector<16xf32>,
        %mul3A_83 = arith.mulf %gather3A_71, %get3A_82 : vector<16xf32>
        %add3A_84 = arith.addf %add3A_79, %mul3A_83 : vector<16xf32>
        %swap3A = arith.index_cast %add3A_63 : i32 to index
        %swap3A_85 = arith.constant 0 : index
        %swap3A_86 = tpu.vector_load %arg34[%swap3A, %swap3A_85] {strides = array<i32>} : memref<64x128xf32, #tpu.memory_space<vmem>>, vector<16xf32>,
        tpu.vector_store %arg34[%swap3A, %swap3A_85], %add3A_84 {strides = array<i32>} : memref<64x128xf32, #tpu.memory_space<vmem>>, vector<16xf32>,
        %get3A_87 = arith.index_cast %add3A_63 : i32 to index
        %get3A_88 = arith.constant 16 : index
        %get3A_89 = tpu.vector_load %arg31[%get3A_87, %get3A_88] {strides = array<i32>} : memref<64x128xf32, #tpu.memory_space<vmem>>, vector<16xf32>,
        %mul3A_90 = arith.mulf %gather3A, %get3A_89 : vector<16xf32>
        %get3A_91 = arith.index_cast %add3A_63 : i32 to index
        %get3A_92 = arith.constant 16 : index
        %get3A_93 = tpu.vector_load %arg32[%get3A_91, %get3A_92] {strides = array<i32>} : memref<64x128xf32, #tpu.memory_space<vmem>>, vector<16xf32>,
        %mul3A_94 = arith.mulf %gather3A_68, %get3A_93 : vector<16xf32>
        %add3A_95 = arith.addf %mul3A_90, %mul3A_94 : vector<16xf32>
        %get3A_96 = arith.index_cast %add3A_63 : i32 to index
        %get3A_97 = arith.constant 16 : index
        %get3A_98 = tpu.vector_load %arg33[%get3A_96, %get3A_97] {strides = array<i32>} : memref<64x128xf32, #tpu.memory_space<vmem>>, vector<16xf32>,
        %mul3A_99 = arith.mulf %gather3A_71, %get3A_98 : vector<16xf32>
        %add3A_100 = arith.addf %add3A_95, %mul3A_99 : vector<16xf32>
        %swap3A_101 = arith.index_cast %add3A_63 : i32 to index
        %swap3A_102 = arith.constant 16 : index
        %swap3A_103 = tpu.vector_load %arg34[%swap3A_101, %swap3A_102] {strides = array<i32>} : memref<64x128xf32, #tpu.memory_space<vmem>>, vector<16xf32>,
        tpu.vector_store %arg34[%swap3A_101, %swap3A_102], %add3A_100 {strides = array<i32>} : memref<64x128xf32, #tpu.memory_space<vmem>>, vector<16xf32>,
        %get3A_104 = arith.index_cast %add3A_63 : i32 to index
        %get3A_105 = arith.constant 32 : index
        %get3A_106 = tpu.vector_load %arg31[%get3A_104, %get3A_105] {strides = array<i32>} : memref<64x128xf32, #tpu.memory_space<vmem>>, vector<16xf32>,
        %mul3A_107 = arith.mulf %gather3A, %get3A_106 : vector<16xf32>
        %get3A_108 = arith.index_cast %add3A_63 : i32 to index
        %get3A_109 = arith.constant 32 : index
        %get3A_110 = tpu.vector_load %arg32[%get3A_108, %get3A_109] {strides = array<i32>} : memref<64x128xf32, #tpu.memory_space<vmem>>, vector<16xf32>,
        %mul3A_111 = arith.mulf %gather3A_68, %get3A_110 : vector<16xf32>
        %add3A_112 = arith.addf %mul3A_107, %mul3A_111 : vector<16xf32>
        %get3A_113 = arith.index_cast %add3A_63 : i32 to index
        %get3A_114 = arith.constant 32 : index
        %get3A_115 = tpu.vector_load %arg33[%get3A_113, %get3A_114] {strides = array<i32>} : memref<64x128xf32, #tpu.memory_space<vmem>>, vector<16xf32>,
        %mul3A_116 = arith.mulf %gather3A_71, %get3A_115 : vector<16xf32>
        %add3A_117 = arith.addf %add3A_112, %mul3A_116 : vector<16xf32>
        %swap3A_118 = arith.index_cast %add3A_63 : i32 to index
        %swap3A_119 = arith.constant 32 : index
        %swap3A_120 = tpu.vector_load %arg34[%swap3A_118, %swap3A_119] {strides = array<i32>} : memref<64x128xf32, #tpu.memory_space<vmem>>, vector<16xf32>,
        tpu.vector_store %arg34[%swap3A_118, %swap3A_119], %add3A_117 {strides = array<i32>} : memref<64x128xf32, #tpu.memory_space<vmem>>, vector<16xf32>,
        %get3A_121 = arith.index_cast %add3A_63 : i32 to index
        %get3A_122 = arith.constant 48 : index
        %get3A_123 = tpu.vector_load %arg31[%get3A_121, %get3A_122] {strides = array<i32>} : memref<64x128xf32, #tpu.memory_space<vmem>>, vector<16xf32>,
        %mul3A_124 = arith.mulf %gather3A, %get3A_123 : vector<16xf32>
        %get3A_125 = arith.index_cast %add3A_63 : i32 to index
        %get3A_126 = arith.constant 48 : index
        %get3A_127 = tpu.vector_load %arg32[%get3A_125, %get3A_126] {strides = array<i32>} : memref<64x128xf32, #tpu.memory_space<vmem>>, vector<16xf32>,
        %mul3A_128 = arith.mulf %gather3A_68, %get3A_127 : vector<16xf32>
        %add3A_129 = arith.addf %mul3A_124, %mul3A_128 : vector<16xf32>
        %get3A_130 = arith.index_cast %add3A_63 : i32 to index
        %get3A_131 = arith.constant 48 : index
        %get3A_132 = tpu.vector_load %arg33[%get3A_130, %get3A_131] {strides = array<i32>} : memref<64x128xf32, #tpu.memory_space<vmem>>, vector<16xf32>,
        %mul3A_133 = arith.mulf %gather3A_71, %get3A_132 : vector<16xf32>
        %add3A_134 = arith.addf %add3A_129, %mul3A_133 : vector<16xf32>
        %swap3A_135 = arith.index_cast %add3A_63 : i32 to index
        %swap3A_136 = arith.constant 48 : index
        %swap3A_137 = tpu.vector_load %arg34[%swap3A_135, %swap3A_136] {strides = array<i32>} : memref<64x128xf32, #tpu.memory_space<vmem>>, vector<16xf32>,
        tpu.vector_store %arg34[%swap3A_135, %swap3A_136], %add3A_134 {strides = array<i32>} : memref<64x128xf32, #tpu.memory_space<vmem>>, vector<16xf32>,
        %get3A_138 = arith.index_cast %add3A_63 : i32 to index
        %get3A_139 = arith.constant 64 : index
        %get3A_140 = tpu.vector_load %arg31[%get3A_138, %get3A_139] {strides = array<i32>} : memref<64x128xf32, #tpu.memory_space<vmem>>, vector<16xf32>,
        %mul3A_141 = arith.mulf %gather3A, %get3A_140 : vector<16xf32>
        %get3A_142 = arith.index_cast %add3A_63 : i32 to index
        %get3A_143 = arith.constant 64 : index
        %get3A_144 = tpu.vector_load %arg32[%get3A_142, %get3A_143] {strides = array<i32>} : memref<64x128xf32, #tpu.memory_space<vmem>>, vector<16xf32>,
        %mul3A_145 = arith.mulf %gather3A_68, %get3A_144 : vector<16xf32>
        %add3A_146 = arith.addf %mul3A_141, %mul3A_145 : vector<16xf32>
        %get3A_147 = arith.index_cast %add3A_63 : i32 to index
        %get3A_148 = arith.constant 64 : index
        %get3A_149 = tpu.vector_load %arg33[%get3A_147, %get3A_148] {strides = array<i32>} : memref<64x128xf32, #tpu.memory_space<vmem>>, vector<16xf32>,
        %mul3A_150 = arith.mulf %gather3A_71, %get3A_149 : vector<16xf32>
        %add3A_151 = arith.addf %add3A_146, %mul3A_150 : vector<16xf32>
        %swap3A_152 = arith.index_cast %add3A_63 : i32 to index
        %swap3A_153 = arith.constant 64 : index
        %swap3A_154 = tpu.vector_load %arg34[%swap3A_152, %swap3A_153] {strides = array<i32>} : memref<64x128xf32, #tpu.memory_space<vmem>>, vector<16xf32>,
        tpu.vector_store %arg34[%swap3A_152, %swap3A_153], %add3A_151 {strides = array<i32>} : memref<64x128xf32, #tpu.memory_space<vmem>>, vector<16xf32>,
        %get3A_155 = arith.index_cast %add3A_63 : i32 to index
        %get3A_156 = arith.constant 80 : index
        %get3A_157 = tpu.vector_load %arg31[%get3A_155, %get3A_156] {strides = array<i32>} : memref<64x128xf32, #tpu.memory_space<vmem>>, vector<16xf32>,
        %mul3A_158 = arith.mulf %gather3A, %get3A_157 : vector<16xf32>
        %get3A_159 = arith.index_cast %add3A_63 : i32 to index
        %get3A_160 = arith.constant 80 : index
        %get3A_161 = tpu.vector_load %arg32[%get3A_159, %get3A_160] {strides = array<i32>} : memref<64x128xf32, #tpu.memory_space<vmem>>, vector<16xf32>,
        %mul3A_162 = arith.mulf %gather3A_68, %get3A_161 : vector<16xf32>
        %add3A_163 = arith.addf %mul3A_158, %mul3A_162 : vector<16xf32>
        %get3A_164 = arith.index_cast %add3A_63 : i32 to index
        %get3A_165 = arith.constant 80 : index
        %get3A_166 = tpu.vector_load %arg33[%get3A_164, %get3A_165] {strides = array<i32>} : memref<64x128xf32, #tpu.memory_space<vmem>>, vector<16xf32>,
        %mul3A_167 = arith.mulf %gather3A_71, %get3A_166 : vector<16xf32>
        %add3A_168 = arith.addf %add3A_163, %mul3A_167 : vector<16xf32>
        %swap3A_169 = arith.index_cast %add3A_63 : i32 to index
        %swap3A_170 = arith.constant 80 : index
        %swap3A_171 = tpu.vector_load %arg34[%swap3A_169, %swap3A_170] {strides = array<i32>} : memref<64x128xf32, #tpu.memory_space<vmem>>, vector<16xf32>,
        tpu.vector_store %arg34[%swap3A_169, %swap3A_170], %add3A_168 {strides = array<i32>} : memref<64x128xf32, #tpu.memory_space<vmem>>, vector<16xf32>,
        %get3A_172 = arith.index_cast %add3A_63 : i32 to index
        %get3A_173 = arith.constant 96 : index
        %get3A_174 = tpu.vector_load %arg31[%get3A_172, %get3A_173] {strides = array<i32>} : memref<64x128xf32, #tpu.memory_space<vmem>>, vector<16xf32>,
        %mul3A_175 = arith.mulf %gather3A, %get3A_174 : vector<16xf32>
        %get3A_176 = arith.index_cast %add3A_63 : i32 to index
        %get3A_177 = arith.constant 96 : index
        %get3A_178 = tpu.vector_load %arg32[%get3A_176, %get3A_177] {strides = array<i32>} : memref<64x128xf32, #tpu.memory_space<vmem>>, vector<16xf32>,
        %mul3A_179 = arith.mulf %gather3A_68, %get3A_178 : vector<16xf32>
        %add3A_180 = arith.addf %mul3A_175, %mul3A_179 : vector<16xf32>
        %get3A_181 = arith.index_cast %add3A_63 : i32 to index
        %get3A_182 = arith.constant 96 : index
        %get3A_183 = tpu.vector_load %arg33[%get3A_181, %get3A_182] {strides = array<i32>} : memref<64x128xf32, #tpu.memory_space<vmem>>, vector<16xf32>,
        %mul3A_184 = arith.mulf %gather3A_71, %get3A_183 : vector<16xf32>
        %add3A_185 = arith.addf %add3A_180, %mul3A_184 : vector<16xf32>
        %swap3A_186 = arith.index_cast %add3A_63 : i32 to index
        %swap3A_187 = arith.constant 96 : index
        %swap3A_188 = tpu.vector_load %arg34[%swap3A_186, %swap3A_187] {strides = array<i32>} : memref<64x128xf32, #tpu.memory_space<vmem>>, vector<16xf32>,
        tpu.vector_store %arg34[%swap3A_186, %swap3A_187], %add3A_185 {strides = array<i32>} : memref<64x128xf32, #tpu.memory_space<vmem>>, vector<16xf32>,
        %get3A_189 = arith.index_cast %add3A_63 : i32 to index
        %get3A_190 = arith.constant 112 : index
        %get3A_191 = tpu.vector_load %arg31[%get3A_189, %get3A_190] {strides = array<i32>} : memref<64x128xf32, #tpu.memory_space<vmem>>, vector<16xf32>,
        %mul3A_192 = arith.mulf %gather3A, %get3A_191 : vector<16xf32>
        %get3A_193 = arith.index_cast %add3A_63 : i32 to index
        %get3A_194 = arith.constant 112 : index
        %get3A_195 = tpu.vector_load %arg32[%get3A_193, %get3A_194] {strides = array<i32>} : memref<64x128xf32, #tpu.memory_space<vmem>>, vector<16xf32>,
        %mul3A_196 = arith.mulf %gather3A_68, %get3A_195 : vector<16xf32>
        %add3A_197 = arith.addf %mul3A_192, %mul3A_196 : vector<16xf32>
        %get3A_198 = arith.index_cast %add3A_63 : i32 to index
        %get3A_199 = arith.constant 112 : index
        %get3A_200 = tpu.vector_load %arg33[%get3A_198, %get3A_199] {strides = array<i32>} : memref<64x128xf32, #tpu.memory_space<vmem>>, vector<16xf32>,
        %mul3A_201 = arith.mulf %gather3A_71, %get3A_200 : vector<16xf32>
        %add3A_202 = arith.addf %add3A_197, %mul3A_201 : vector<16xf32>
        %swap3A_203 = arith.index_cast %add3A_63 : i32 to index
        %swap3A_204 = arith.constant 112 : index
        %swap3A_205 = tpu.vector_load %arg34[%swap3A_203, %swap3A_204] {strides = array<i32>} : memref<64x128xf32, #tpu.memory_space<vmem>>, vector<16xf32>,
        tpu.vector_store %arg34[%swap3A_203, %swap3A_204], %add3A_202 {strides = array<i32>} : memref<64x128xf32, #tpu.memory_space<vmem>>, vector<16xf32>,
      }
      %scan3A_57 = arith.constant 64 : i32
      %add3A_58 = arith.addi %mul3A_2, %mul3A_30 : i32
      "tpu.region"() ({
        %run_scoped3A = tpu.sem_alloc : memref<!tpu.dma_semaphore, #tpu.memory_space<semaphore_mem>>
        %dma_start3A_59 = arith.constant 0 : i32
        %dma_start3A_60 = tpu.memref_slice %arg13[%add3A_58, %dma_start3A_59] : memref<16384x128xf32, #tpu.memory_space<hbm>> -> memref<64x128xf32, #tpu.memory_space<hbm>>
        %dma_start3A_61 = arith.constant 0 : i32
        %dma_start3A_62 = tpu.memref_slice %arg13[%add3A_58, %dma_start3A_61] : memref<16384x128xf32, #tpu.memory_space<hbm>> -> memref<64x128xf32, #tpu.memory_space<hbm>>
        tpu.enqueue_dma source(%arg34 : memref<64x128xf32, #tpu.memory_space<vmem>>) target(%dma_start3A_62 : memref<64x128xf32, #tpu.memory_space<hbm>>) target_semaphore(%run_scoped3A : memref<!tpu.dma_semaphore, #tpu.memory_space<semaphore_mem>>)
        %dma_wait3A_63 = arith.constant 0 : i32
        %dma_wait3A_64 = tpu.memref_slice %arg13[%add3A_58, %dma_wait3A_63] : memref<16384x128xf32, #tpu.memory_space<hbm>> -> memref<64x128xf32, #tpu.memory_space<hbm>>
        %dma_wait3A_65 = arith.constant 0 : i32
        %dma_wait3A_66 = tpu.memref_slice %arg13[%add3A_58, %dma_wait3A_65] : memref<16384x128xf32, #tpu.memory_space<hbm>> -> memref<64x128xf32, #tpu.memory_space<hbm>>
        tpu.wait_dma2 semaphore(%run_scoped3A : memref<!tpu.dma_semaphore, #tpu.memory_space<semaphore_mem>>) src(%arg34 : memref<64x128xf32, #tpu.memory_space<vmem>>) dst(%dma_wait3A_66 : memref<64x128xf32, #tpu.memory_space<hbm>>)
        tpu.yield
      }) : () -> ()
    }
    %scan3A_23 = arith.constant 8 : i32
    return
  }
}

module attributes {stable_mosaic.version = 14 : i64} {
  func.func @_mlp_body(%arg0: i32, %arg1: memref<2048x128xf32, #tpu.memory_space<vmem>>, %arg2: memref<2048x64xf32, #tpu.memory_space<vmem>>, %arg3: memref<192x256xf32, #tpu.memory_space<vmem>>, %arg4: memref<1x256xf32, #tpu.memory_space<vmem>>, %arg5: memref<256x128xf32, #tpu.memory_space<vmem>>, %arg6: memref<1x128xf32, #tpu.memory_space<vmem>>, %arg7: memref<2048x128xf32, #tpu.memory_space<vmem>>) attributes {dimension_semantics = [#tpu.dimension_semantics<arbitrary>], iteration_bounds = array<i64: 8>, scalar_prefetch = 0 : i64, scratch_operands = 0 : i64, tpu.core_type = #tpu.core_type<tc>, window_params = [{transform_indices = @transform_0, window_bounds = array<i64: 2048, 128>}, {transform_indices = @transform_1, window_bounds = array<i64: 2048, 64>}, {pipeline_mode = #tpu.pipeline_mode<synchronous>, transform_indices = @transform_2, window_bounds = array<i64: 192, 256>}, {pipeline_mode = #tpu.pipeline_mode<synchronous>, transform_indices = @transform_3, window_bounds = array<i64: 1, 256>}, {pipeline_mode = #tpu.pipeline_mode<synchronous>, transform_indices = @transform_4, window_bounds = array<i64: 256, 128>}, {pipeline_mode = #tpu.pipeline_mode<synchronous>, transform_indices = @transform_5, window_bounds = array<i64: 1, 128>}, {transform_indices = @transform_6, window_bounds = array<i64: 2048, 128>}]} {
    %get3A = arith.constant 0 : index
    %get3A_0 = arith.constant 0 : index
    %get3A_1 = vector.load %arg1[%get3A, %get3A_0] : memref<2048x128xf32, #tpu.memory_space<vmem>>, vector<2048x128xf32>
    %get3A_2 = arith.constant 0 : index
    %get3A_3 = arith.constant 0 : index
    %get3A_4 = vector.load %arg3[%get3A_2, %get3A_3] : memref<192x256xf32, #tpu.memory_space<vmem>>, vector<128x256xf32>
    %dot_general3A = arith.constant dense<0.000000e+00> : vector<2048x256xf32>
    %dot_general3A_5 = tpu.matmul %get3A_1, %get3A_4, %dot_general3A {dimension_numbers = #tpu.dot_dimension_numbers<[1], [0], [0], [1], [0, 0, 1, 1], [], []>, transpose_lhs_hint = false} : vector<2048x128xf32>, vector<128x256xf32>, vector<2048x256xf32> -> vector<2048x256xf32>
    %get3A_6 = arith.constant 0 : index
    %get3A_7 = arith.constant 0 : index
    %get3A_8 = vector.load %arg2[%get3A_6, %get3A_7] : memref<2048x64xf32, #tpu.memory_space<vmem>>, vector<2048x64xf32>
    %get3A_9 = arith.constant 128 : index
    %get3A_10 = arith.constant 0 : index
    %get3A_11 = vector.load %arg3[%get3A_9, %get3A_10] : memref<192x256xf32, #tpu.memory_space<vmem>>, vector<64x256xf32>
    %dot_general3A_12 = arith.constant dense<0.000000e+00> : vector<2048x256xf32>
    %dot_general3A_13 = tpu.matmul %get3A_8, %get3A_11, %dot_general3A_12 {dimension_numbers = #tpu.dot_dimension_numbers<[1], [0], [0], [1], [0, 0, 1, 1], [], []>, transpose_lhs_hint = false} : vector<2048x64xf32>, vector<64x256xf32>, vector<2048x256xf32> -> vector<2048x256xf32>
    %add3A = arith.addf %dot_general3A_5, %dot_general3A_13 : vector<2048x256xf32>
    %get3A_14 = arith.constant 0 : index
    %get3A_15 = arith.constant 0 : index
    %get3A_16 = vector.load %arg4[%get3A_14, %get3A_15] : memref<1x256xf32, #tpu.memory_space<vmem>>, vector<1x256xf32>
    %add3A_17 = vector.broadcast %get3A_16 : vector<1x256xf32> to vector<2048x256xf32>
    %add3A_18 = arith.addf %add3A, %add3A_17 : vector<2048x256xf32>
    %max3A = arith.constant 0.000000e+00 : f32
    %max3A_19 = vector.broadcast %max3A : f32 to vector<2048x256xf32>
    %max3A_20 = arith.maximumf %add3A_18, %max3A_19 : vector<2048x256xf32>
    %get3A_21 = arith.constant 0 : index
    %get3A_22 = arith.constant 0 : index
    %get3A_23 = vector.load %arg5[%get3A_21, %get3A_22] : memref<256x128xf32, #tpu.memory_space<vmem>>, vector<256x128xf32>
    %dot_general3A_24 = arith.constant dense<0.000000e+00> : vector<2048x128xf32>
    %dot_general3A_25 = tpu.matmul %max3A_20, %get3A_23, %dot_general3A_24 {dimension_numbers = #tpu.dot_dimension_numbers<[1], [0], [0], [1], [0, 0, 1, 1], [], []>, transpose_lhs_hint = false} : vector<2048x256xf32>, vector<256x128xf32>, vector<2048x128xf32> -> vector<2048x128xf32>
    %get3A_26 = arith.constant 0 : index
    %get3A_27 = arith.constant 0 : index
    %get3A_28 = vector.load %arg6[%get3A_26, %get3A_27] : memref<1x128xf32, #tpu.memory_space<vmem>>, vector<1x128xf32>
    %add3A_29 = vector.broadcast %get3A_28 : vector<1x128xf32> to vector<2048x128xf32>
    %add3A_30 = arith.addf %dot_general3A_25, %add3A_29 : vector<2048x128xf32>
    %swap3A = arith.constant 0 : index
    %swap3A_31 = arith.constant 0 : index
    %swap3A_32 = vector.load %arg7[%swap3A, %swap3A_31] : memref<2048x128xf32, #tpu.memory_space<vmem>>, vector<2048x128xf32>
    tpu.vector_store %arg7[%swap3A, %swap3A_31], %add3A_30 {strides = array<i32>} : memref<2048x128xf32, #tpu.memory_space<vmem>>, vector<2048x128xf32>,
    return
  }
  func.func @transform_0(%arg0: i32) -> (i32, i32) {
    %c0_i32 = arith.constant 0 : i32
    %c0_i32_0 = arith.constant 0 : i32
    return %arg0, %c0_i32 : i32, i32
  }
  func.func @transform_1(%arg0: i32) -> (i32, i32) {
    %c0_i32 = arith.constant 0 : i32
    %c0_i32_0 = arith.constant 0 : i32
    return %arg0, %c0_i32 : i32, i32
  }
  func.func @transform_2(%arg0: i32) -> (i32, i32) {
    %c0_i32 = arith.constant 0 : i32
    %c0_i32_0 = arith.constant 0 : i32
    %c0_i32_1 = arith.constant 0 : i32
    return %c0_i32, %c0_i32_0 : i32, i32
  }
  func.func @transform_3(%arg0: i32) -> (i32, i32) {
    %c0_i32 = arith.constant 0 : i32
    %c0_i32_0 = arith.constant 0 : i32
    %c0_i32_1 = arith.constant 0 : i32
    return %c0_i32, %c0_i32_0 : i32, i32
  }
  func.func @transform_4(%arg0: i32) -> (i32, i32) {
    %c0_i32 = arith.constant 0 : i32
    %c0_i32_0 = arith.constant 0 : i32
    %c0_i32_1 = arith.constant 0 : i32
    return %c0_i32, %c0_i32_0 : i32, i32
  }
  func.func @transform_5(%arg0: i32) -> (i32, i32) {
    %c0_i32 = arith.constant 0 : i32
    %c0_i32_0 = arith.constant 0 : i32
    %c0_i32_1 = arith.constant 0 : i32
    return %c0_i32, %c0_i32_0 : i32, i32
  }
  func.func @transform_6(%arg0: i32) -> (i32, i32) {
    %c0_i32 = arith.constant 0 : i32
    %c0_i32_0 = arith.constant 0 : i32
    return %arg0, %c0_i32 : i32, i32
  }
}

</mosaic_0001>

<sc_bundles>
// kernel: kernel.4.cloned.1.call-start
scs
__scs_entry_jumppad:
0x0: {  	(pc) =	sbr.rel $0x88, $3  }
0x1: {  	(tag) =	ssettag $0x0;
	lr =	simm.s32 $0x1  }
0x2: {  	[smem:$0x3F97] =	sst lr;
	_ =	strace $0xD0000000  }
0x3: {  	_ = 	snop  }
0x4: {  	_ = 	snop  }
0x5: {  	_ = 	snop  }
0x6: {  	_ = 	snop  }
0x7: {  	_ = 	snop  }
__scs_overlays_trampoline_lowered:
0x8: {  	[smem:$0x3FA6] =	sst s0  }
0x9: {  	[smem:$0x3FA7] =	sst s1  }
0xa: {  	[smem:$0x3FA8] =	sst s2  }
0xb: {  	[smem:$0x3FA9] =	sst s3  }
0xc: {  	[smem:$0x3FAA] =	sst s4  }
0xd: {  	[smem:$0x3FAB] =	sst s5  }
0xe: {  	[smem:$0x3FAC] =	sst s6  }
0xf: {  	[smem:$0x3FAD] =	sst s7  }
0x10: {  	[smem:$0x3FAE] =	sst s8  }
0x11: {  	[smem:$0x3FAF] =	sst s9;
	s0 =	simm.s32 @!p0 $0x0  }
0x12: {  	s1 =	sld [smem:$0x3F95];
	s0 =	simm.s32 @p0 $0x1  }
0x13: {  	[smem:$0x3FB0] =	sst s0;
	s0 =	simm.s32 @!p1 $0x0  }
0x14: {  	s2 =	sld [smem:$0x3F94];
	s0 =	simm.s32 @p1 $0x1  }
0x15: {  	[smem:$0x3FB1] =	sst s0;
	s0 =	simm.s32 @!p2 $0x0  }
0x16: {  	s3 =	sld [smem:$0x3FDB];
	s0 =	simm.s32 @p2 $0x1  }
0x17: {  	s4 =	simm.s32 $0x1BF5;
	[smem:$0x3FB3] =	sst s0  }
0x18: {  	s0 =	sld [smem:$0x3F96];
	_ =	swait.ge [sflag:s4], $0x0  }
0x19: {  	s7 =	sld [smem:$0x3F97]  }
0x1a: {  	s8 =	sadd.s32 $0xFFFFE003, lr  }
0x1b: {  	s9 =	sadd.s32 $0xFFFFFEF7, lr;
	s5 =	simm.s32 $0xFFFFFFFF;
	p2 =	slt.u32 s8, $0xFFFFF086  }
0x1c: {  	p1 =	slt.u32 s9, $0xF7A;
	s5 =	simm.s32 @!p2 $0x0  }
0x1d: {  	s5 =	simm.s32 @p1 $0x1;
	p0 =	seq.s32 s7, s2  }
0x1e: {  	s7 =	smul.u32 @!p0 $0xF7A, s2;
	p2 =	seq.s32 @!p0 s5, $0x0  }
0x1f: {  	s9 =	smul.u32 $0xF7A, s1;
	s8 =	simm.s32 @!p0 $0x1BF5;
	p2 =	por !p2, p0  }
0x20: {  	[sflag:s8] =	ssyncset.s32 @!p0 $0xFFFFF086;
	s6 =	sadd.s32 @!p0 s3, s7;
	s7 =	simm.s32 @!p0 $0x108  }
0x21: {  	s3 =	sadd.s32 s3, s9;
	s6 =	sadd.s32 @!p0 $0x88, s6;
	s7 =	simm.s32 @p2 $0x1082  }
0x22: {  	[simem:s7], [sflag:s8] =	dma.local @!p0 [hbm:s6], $0xF7A  }
0x23: {  	s9 =	sor.u32 $0xD0000000, s2;
	s6 =	simm.s32 $0x108;
	_ =	swait.ge @!p0 [sflag:s8], $0x0  }
0x24: {  	s3 =	sadd.s32 $0x88, s3;
	s6 =	simm.s32 @!p1 $0x1082;
	[sflag:s4] =	ssyncset.s32 $0xFFFFF086  }
0x25: {  	[simem:s6], [sflag:s4] =	dma.local [hbm:s3], $0xF7A  }
0x26: {  	[smem:$0x3F97] =	sst s1;
	(tag) =	ssettag s2;
	_ =	strace s9  }
0x27: {  	s1 =	sld [smem:$0x3FA7]  }
0x28: {  	s2 =	sld [smem:$0x3FA8]  }
0x29: {  	s4 =	sld [smem:$0x3FAA]  }
0x2a: {  	p0 =	seq.s32 s5, $0x0;
	s5 =	sld [smem:$0x3FAB]  }
0x2b: {  	s6 =	sld [smem:$0x3FAC]  }
0x2c: {  	s7 =	sld [smem:$0x3FAD]  }
0x2d: {  	s3 =	simm.s32 $0x108;
	s8 =	sld [smem:$0x3FAE]  }
0x2e: {  	s3 =	simm.s32 @!p0 $0x1082;
	s9 =	sld [smem:$0x3FAF]  }
0x2f: {  	lr =	sadd.s32 s0, s3;
	s0 =	sld [smem:$0x3FA6]  }
0x30: {  	s3 =	sld [smem:$0x3FA9]  }
0x31: {  	[smem:$0x3FB2] =	sst s10  }
0x32: {  	s10 =	sld [smem:$0x3FB0];
	_ =	sdelay $0x3  }
0x33: {  	p0 =	seq.s32 s10, $0x1;
	s10 =	sld [smem:$0x3FB2];
	_ =	sdelay $0x3  }
0x34: {  	[smem:$0x3FB2] =	sst s10  }
0x35: {  	s10 =	sld [smem:$0x3FB1];
	_ =	sdelay $0x3  }
0x36: {  	p1 =	seq.s32 s10, $0x1;
	s10 =	sld [smem:$0x3FB2];
	_ =	sdelay $0x3  }
0x37: {  	[smem:$0x3FB2] =	sst s10  }
0x38: {  	s10 =	sld [smem:$0x3FB3]  }
0x39: {  	_ = 	snop;
	(pc) =	sbr.ind lr, $3  }
0x3a: {  	_ = 	snop  }
0x3b: {  	_ = 	snop  }
0x3c: {  	p2 =	seq.s32 s10, $0x1;
	s10 =	sld [smem:$0x3FB2]  }
0x3d: {  	_ =	shalt  }
0x3e: {  	_ =	shalt  }
0x3f: {  	_ =	shalt  }
0x40: {  	_ =	shalt  }
0x41: {  	_ =	shalt  }
0x42: {  	_ =	shalt  }
0x43: {  	_ =	shalt  }
0x44: {  	_ =	shalt  }
0x45: {  	_ =	shalt  }
0x46: {  	_ =	shalt  }
0x47: {  	_ =	shalt  }
0x48: {  	_ =	shalt  }
0x49: {  	_ =	shalt  }
0x4a: {  	_ =	shalt  }
0x4b: {  	_ =	shalt  }
0x4c: {  	_ =	shalt  }
0x4d: {  	_ =	shalt  }
0x4e: {  	_ =	shalt  }
0x4f: {  	_ =	shalt  }
0x50: {  	_ =	shalt  }
0x51: {  	_ =	shalt  }
0x52: {  	_ =	shalt  }
0x53: {  	_ =	shalt  }
0x54: {  	_ =	shalt  }
0x55: {  	_ =	shalt  }
0x56: {  	_ =	shalt  }
0x57: {  	_ =	shalt  }
0x58: {  	_ =	shalt  }
0x59: {  	_ =	shalt  }
0x5a: {  	_ =	shalt  }
0x5b: {  	_ =	shalt  }
0x5c: {  	_ =	shalt  }
0x5d: {  	_ =	shalt  }
0x5e: {  	_ =	shalt  }
0x5f: {  	_ =	shalt  }
0x60: {  	_ =	shalt  }
0x61: {  	_ =	shalt  }
0x62: {  	_ =	shalt  }
0x63: {  	_ =	shalt  }
0x64: {  	_ =	shalt  }
0x65: {  	_ =	shalt  }
0x66: {  	_ =	shalt  }
0x67: {  	_ =	shalt  }
0x68: {  	_ =	shalt  }
0x69: {  	_ =	shalt  }
0x6a: {  	_ =	shalt  }
0x6b: {  	_ =	shalt  }
0x6c: {  	_ =	shalt  }
0x6d: {  	_ =	shalt  }
0x6e: {  	_ =	shalt  }
0x6f: {  	_ =	shalt  }
0x70: {  	_ =	shalt  }
0x71: {  	_ =	shalt  }
0x72: {  	_ =	shalt  }
0x73: {  	_ =	shalt  }
0x74: {  	_ =	shalt  }
0x75: {  	_ =	shalt  }
0x76: {  	_ =	shalt  }
0x77: {  	_ =	shalt  }
0x78: {  	_ =	shalt  }
0x79: {  	_ =	shalt  }
0x7a: {  	_ =	shalt  }
0x7b: {  	_ =	shalt  }
0x7c: {  	_ =	shalt  }
0x7d: {  	_ =	shalt  }
0x7e: {  	_ =	shalt  }
0x7f: {  	_ =	shalt  }
0x80: {  	_ =	shalt  }
0x81: {  	_ =	shalt  }
0x82: {  	_ =	shalt  }
0x83: {  	_ =	shalt  }
0x84: {  	_ =	shalt  }
0x85: {  	_ =	shalt  }
0x86: {  	_ =	shalt  }
0x87: {  	_ =	shalt  }
.Lfunc_end0:
.L_simem_size_0:
called_computation_lowered:
.L_overlay_start_0:
0x88: {  	s2 =	sld [smem:$0x3FD9]  }
0x89: {  	s3 =	sld [smem:$0x3FFE];
	_ =	sdelay $0x1  }
0x8a: {  	s1 =	srdreg.scid  }
0x8b: {  	s0 =	sand.u32 $0x1, s1  }
0x8c: {  	s14 =	sshll.u32 s0, $0xA;
	s2 =	sadd.s32 s3, s2  }
0x8d: {  	s2 =	sadd.s32 s2, s14  }
0x8e: {  	[smem:$0x3FBE] =	sst s2  }
0x8f: {  	_ = 	snop  }
0x90: {  	s2 =	sld [smem:$0x3FD0];
	_ =	sdelay $0x1  }
0x91: {  	s15 =	sld [smem:$0x3FC9]  }
0x92: {  	s5 =	simm.s32 $0xA;
	s6 =	simm.s32 $0x10;
	s4 =	sld [smem:$0x3FC4]  }
0x93: {  	[smem:s6], [sflag:s5] =	dma.local [hbm:s2], $0x1  }
0x94: {  	_ =	swait.eq [sflag:s5], $0x1  }
0x95: {  	s16 =	sld [smem:$0x10];
	[sflag:s5] =	ssyncset.done $0x0  }
0x96: {  	s17 =	sld [smem:$0x11];
	[sflag:s5] =	ssyncadd.s32 $0xFFFFFFFF  }
0x97: {  	s18 =	sld [smem:$0x12];
	(tm) =	ssettm $0x1  }
0x98: {  	s7 =	sld [smem:$0x3FFB];
	_ =	sdelay $0x3  }
0x99: {  	_ =	strace s7  }
0x9a: {  	s7 =	sld [smem:$0x3FFC];
	_ =	sdelay $0x3  }
0x9b: {  	_ =	strace s7  }
0x9c: {  	s7 =	sld [smem:$0x3FFD];
	_ =	sdelay $0x3  }
0x9d: {  	_ =	strace s7  }
0x9e: {  	_ =	strace $0x8FFFFFFF  }
0x9f: {  	s19 =	sld [smem:$0x3FDB];
	_ =	sdelay $0x1  }
0xa0: {  	s8 =	simm.s32 $_scs_section_size  }
0xa1: {  	s9 =	simm.s32 $_size__tile_overlayer_lowered;
	s10 =	simm.s32 $_tile_overlayer_lowered  }
0xa2: {  	s22 =	simm.s32 $0x1BFF;
	s21 =	sshll.u32 s10, $0x1;
	s7 =	sadd.s32 s8, s19  }
0xa3: {  	s11 =	simm.s32 $0x0;
	s20 =	sshll.u32 s9, $0x1;
	s9 =	sadd.s32 s21, s7  }
0xa4: {  	[timem:s11], [sflag:s22] =	dma.local [hbm:s9], s20  }
0xa5: {  	_ =	swait.ge [sflag:s22], s20  }
0xa6: {  	s8 =	ssub.s32 $0x0, s20;
	[sflag:s22] =	ssyncset.done $0x0  }
0xa7: {  	[sflag:s22] =	ssyncadd.s32 s8;
	_ =	sdelay $0x1  }
0xa8: {  	s23 =	simm.s32 $0x1B8B  }
0xa9: {  	_ =	swait.ge [sflag:s23], $0x1  }
0xaa: {  	[sflag:s23] =	ssyncset.done $0x0  }
0xab: {  	s25 =	simm.s32 $0x1B8E;
	s24 =	sld [smem:$0x3FFE];
	[sflag:s23] =	ssyncadd.s32 $0xFFFFFFFF  }
0xac: {  	s26 =	simm.s32 $execute0_lowered;
	[smem:$0x3FD2] =	sst s25  }
0xad: {  	s9 =	sshll.u32 s26, $0x1;
	_ =	strace $0x80000046;
	[dreg:$0x1] =	wrdreg $0xFFFFFFFF  }
0xae: {  	s28 =	simm.s32 $_size_execute0_lowered;
	s7 =	sadd.s32 s7, s9;
	[dreg:$0x0] =	wrdreg $0x0  }
0xaf: {  	s9 =	sshll.u32 s28, $0x1;
	[dreg:$0x2] =	wrdreg s7  }
0xb0: {  	[dreg:$0x3] =	wrdreg s9  }
0xb1: {  	[dreg:$0x4] =	wrdreg $0xC0  }
0xb2: {  	_ =	task [dreg:s11], $0x5FFFF  }
0xb3: {  	[dreg:$0x1] =	wrdreg $0xFFFFFFFF  }
0xb4: {  	[dreg:$0x0] =	wrdreg $0x60  }
0xb5: {  	[dreg:$0x2] =	wrdreg s24  }
0xb6: {  	[dreg:$0x3] =	wrdreg s17  }
0xb7: {  	[dreg:$0x4] =	wrdreg s18  }
0xb8: {  	[dreg:$0x5] =	wrdreg s4  }
0xb9: {  	[dreg:$0x6] =	wrdreg s15  }
0xba: {  	[dreg:$0x7] =	wrdreg s16  }
0xbb: {  	[dreg:$0x8] =	wrdreg $0x9  }
0xbc: {  	_ =	task.clear_ibuf [dreg:s11], $0x9FFFF;
	_ =	strace $0x90000046  }
0xbd: {  	s29 =	simm.s32 $0x9;
	_ =	strace $0x80000048  }
0xbe: {  	_ =	swait.ge [sflag:s29], $0x1  }
0xbf: {  	[sflag:s29] =	ssyncadd.s32 $0xFFFFFFFF  }
0xc0: {  	_ =	strace $0x90000048  }
0xc1: {  	_ =	sfence  }
0xc2: {  	s30 =	sld [smem:$0x0];
	_ =	sdelay $0x2  }
0xc3: {  	s31 =	sshll.u32 s1, $0xD;
	s1 =	sshrl.u32 s1, $0x2  }
0xc4: {  	s3 =	sand.u32 $0x4000, s31;
	s1 =	sadd.s32 s1, s30  }
0xc5: {  	s0 =	sor.u32 s3, s0;
	s1 =	sshll.u32 s1, $0x11  }
0xc6: {  	s0 =	sor.u32 s1, s0  }
0xc7: {  	s0 =	sadd.s32 $0x8F2B, s0  }
0xc8: {  	[sflag:s0] =	ssyncadd.remote.s32 $0x1  }
0xc9: {  	_ =	sfence.sel $0xFFFF  }
0xca: {  	[dreg:$0x0] =	wrdreg $0xFFFFFFFF;
	(pc) =	sbr.abs _section_cstart, $3  }
0xcb: {  	[dreg:$0x1] =	wrdreg $0xFFFFFFFF  }
0xcc: {  	_ =	task.clear_ibuf [dreg:s11], $0x2FFFF;
	_ =	strace $0x9FFFFFFF  }
0xcd: {  	(tm) =	ssettm $0x7FFFFFFF  }
tec
execute0_lowered:
.L_overlay_start_1:
0x0: {  	(tag) =	ssettag $0x1  }
0x1: {  	s0 =	rddreg [dreg:$0x0]  }
0x2: {  	s2 =	rddreg [dreg:$0x1]  }
0x3: {  	s3 =	rddreg [dreg:$0x2]  }
0x4: {  	s5 =	rddreg [dreg:$0x3]  }
0x5: {  	s1 =	rddreg [dreg:$0x4]  }
0x6: {  	s14 =	rddreg [dreg:$0x5];
	s6 =	srdreg.scid;
	s4 =	simm.s32 $0x0  }
0x7: {  	s8 =	stileid.u32;
	s15 =	simm.s32 $0x5A80;
	s28 =	simm.s32 $0x1  }
0x8: {  	s29 =	simm.s32 $0x4200;
	s30 =	simm.s32 $0x40;
	s31 =	simm.s32 $0xC780  }
0x9: {  	s7 =	sand.u32 $0x1, s6;
	[smem:$0x7FF] =	sst s4;
	s9 =	sadd.s32 $0x2200, s0  }
0xa: {  	s18 =	sadd.s32 $0x1E00, s0;
	_ =	strace $0x80000047;
	[dreg:$0x7] =	wrdreg s9  }
0xb: {  	s16 =	sshll.u32 s8, $0xA;
	s19 =	sadd.s32 $0x1A00, s0;
	[dreg:$0x8] =	wrdreg s18  }
0xc: {  	s21 =	sadd.s32 $0x2600, s0;
	s10 =	sadd.s32 $0x2A00, s0;
	[dreg:$0x9] =	wrdreg s19  }
0xd: {  	s17 =	sshll.u32 s7, $0x9;
	[dreg:$0xa] =	wrdreg s21;
	s7 =	ssub.s32 $0x2, s7  }
0xe: {  	[dreg:$0xb] =	wrdreg s10;
	s18 =	simm.s32 $0x1080;
	s6 =	sor.u32 s17, s16  }
0xf: {  	s19 =	simm.s32 $0x2100;
	s21 =	simm.s32 $0x6180;
	s20 =	sshrl.u32 s6, $0x3  }
0x10: {  	s23 =	sshrl.u32 s7, $0x1;
	s22 =	sadd.s32 s20, s0;
	s0 =	sadd.s32 $0x1000, s0  }
0x11: {  	s17 =	simm.s32 $0x2;
	s2 =	sadd.s32 s2, s20;
	[dreg:$0xc] =	wrdreg s0  }
0x12: {  	s16 =	simm.s32 $0x6780;
	s25 =	sadd.s32 s3, s20;
	[dreg:$0xe] =	wrdreg s2  }
0x13: {  	s26 =	sadd.s32 s5, s20;
	s20 =	simm.s32 $0x3180;
	[dreg:$0xf] =	wrdreg s25  }
0x14: {  	s0 =	ssub.s32 s7, s23;
	s24 =	sadd.s32 $0x1200, s22;
	[dreg:$0x10] =	wrdreg s26  }
0x15: {  	s26 =	simm.s32 $0x5B00;
	s25 =	simm.s32 $0xA780;
	s22 =	simm.s32 $0x6380  }
0x16: {  	s23 =	simm.s32 $0x6580;
	[dreg:$0xd] =	wrdreg s24;
	s0 =	smax.u32 s0, $0x1  }
0x17: {  	v0 =	vimm.f32 $1.000000000e+10;
	s2 =	simm.s32 $0x0;
	s24 =	simm.s32 $0x8780;
	[dreg:$0x11] =	wrdreg s0  }
.LBB2_1:
0x18: {  	[dreg:$0x12] =	wrdreg s2  }
0x19: {  	s0 =	rddreg [dreg:$0x7]  }
0x1a: {  	[tilespmem:s4], [sflag:$0x2] =	stream.linear.gather [hbm4b:s0+s4], $0x1080, $0x38;
	[tilespmem:$0xE780] =	vst v63  }
0x1b: {  	_ =	swait.ge [sflag:s17], $0x1080  }
0x1c: {  	[sflag:s17] =	ssyncset.done $0x0  }
0x1d: {  	s11 =	rddreg [dreg:$0x8];
	[sflag:s17] =	ssyncadd.s32 $0xFFFFEF80  }
0x1e: {  	[tilespmem:s18], [sflag:$0x2] =	stream.linear.gather [hbm4b:s11+s4], $0x1080, $0x38;
	[tilespmem:$0xE780] =	vst v63  }
0x1f: {  	_ =	swait.ge [sflag:s17], $0x1080  }
0x20: {  	[sflag:s17] =	ssyncset.done $0x0  }
0x21: {  	s12 =	rddreg [dreg:$0x9];
	[sflag:s17] =	ssyncadd.s32 $0xFFFFEF80  }
0x22: {  	[tilespmem:s19], [sflag:$0x2] =	stream.linear.gather [hbm4b:s12+s4], $0x1080, $0x38;
	[tilespmem:$0xE780] =	vst v63  }
0x23: {  	_ =	swait.ge [sflag:s17], $0x1080  }
0x24: {  	[sflag:s17] =	ssyncset.done $0x0  }
0x25: {  	s13 =	rddreg [dreg:$0xa];
	[sflag:s17] =	ssyncadd.s32 $0xFFFFEF80  }
0x26: {  	[tilespmem:s20], [sflag:$0x2] =	stream.linear.gather [hbm4b:s13+s4], $0x1080, $0x38;
	[tilespmem:$0xE780] =	vst v63  }
0x27: {  	_ =	swait.ge [sflag:s17], $0x1080  }
0x28: {  	[sflag:s17] =	ssyncset.done $0x0  }
0x29: {  	s3 =	simm.s32 $0x5280;
	s2 =	rddreg [dreg:$0xd];
	[sflag:s17] =	ssyncadd.s32 $0xFFFFEF80  }
0x2a: {  	[tilespmem:s3], [sflag:$0x2] =	stream.linear.gather [hbm4b:s2+s4], $0x200, $0x38;
	[tilespmem:$0xE780] =	vst v63  }
0x2b: {  	_ =	swait.ge [sflag:s17], $0x200  }
0x2c: {  	[sflag:s17] =	ssyncset.done $0x0  }
0x2d: {  	s7 =	simm.s32 $0x5480;
	s5 =	rddreg [dreg:$0xe];
	[sflag:s17] =	ssyncadd.s32 $0xFFFFFE00  }
0x2e: {  	[tilespmem:s7], [sflag:$0x2] =	stream.linear.gather [hbm4b:s5+s4], $0x200, $0x38;
	[tilespmem:$0xE780] =	vst v63  }
0x2f: {  	_ =	swait.ge [sflag:s17], $0x200  }
0x30: {  	[sflag:s17] =	ssyncset.done $0x0  }
0x31: {  	s9 =	simm.s32 $0x5680;
	s8 =	rddreg [dreg:$0xf];
	[sflag:s17] =	ssyncadd.s32 $0xFFFFFE00  }
0x32: {  	[tilespmem:s9], [sflag:$0x2] =	stream.linear.gather [hbm4b:s8+s4], $0x200, $0x38;
	[tilespmem:$0xE780] =	vst v63  }
0x33: {  	_ =	swait.ge [sflag:s17], $0x200  }
0x34: {  	[sflag:s17] =	ssyncset.done $0x0  }
0x35: {  	s11 =	simm.s32 $0x5880;
	s10 =	rddreg [dreg:$0x10];
	[sflag:s17] =	ssyncadd.s32 $0xFFFFFE00  }
0x36: {  	[tilespmem:s11], [sflag:$0x2] =	stream.linear.gather [hbm4b:s10+s4], $0x200, $0x38;
	[tilespmem:$0xE780] =	vst v63  }
0x37: {  	_ =	swait.ge [sflag:s17], $0x200  }
0x38: {  	[sflag:s17] =	ssyncset.done $0x0  }
0x39: {  	s12 =	rddreg [dreg:$0xb];
	[sflag:s17] =	ssyncadd.s32 $0xFFFFFE00  }
0x3a: {  	[tilespmem:s15], [sflag:$0x2] =	stream.linear.gather [hbm4b:s12+s4], $0x80, $0x38;
	[tilespmem:$0xE780] =	vst v63  }
0x3b: {  	_ =	swait.ge [sflag:s17], $0x80  }
0x3c: {  	[sflag:s17] =	ssyncset.done $0x0  }
0x3d: {  	s13 =	rddreg [dreg:$0xc];
	[sflag:s17] =	ssyncadd.s32 $0xFFFFFF80  }
0x3e: {  	[tilespmem:s26], [sflag:$0x2] =	stream.linear.gather [hbm4b:s13+s4], $0x80, $0x38;
	[tilespmem:$0xE780] =	vst v63  }
0x3f: {  	_ =	swait.ge [sflag:s17], $0x80  }
0x40: {  	[sflag:s17] =	ssyncset.done $0x0  }
0x41: {  	s0 =	simm.s32 $0x0;
	[sflag:s17] =	ssyncadd.s32 $0xFFFFFF80  }
0x42: {  	v1 =	vld [tilespmem:s0+$0x0]  }
0x43: {  	v2 =	vld [tilespmem:s0+$0x1080]  }
0x44: {  	v3 =	vld [tilespmem:s0+$0x2100];
	_ =	sdelay $0x2  }
0x45: {  	s2 =	simm.s32 $0x10  }
0x46: {  	v4 =	vmul.f32 v1, v1;
	v2 =	vmul.f32 v2, v2;
	v1 =	vld [tilespmem:s2+$0x0]  }
0x47: {  	v5 =	vmul.f32 v3, v3;
	v3 =	vld [tilespmem:s2+$0x1080]  }
0x48: {  	v4 =	vadd.f32 v2, v4  }
0x49: {  	v2 =	vld [tilespmem:s2+$0x2100]  }
0x4a: {  	s3 =	simm.s32 $0x80;
	v4 =	vadd.f32 v5, v4  }
.LBB2_2:
0x4b: {  	s5 =	sshra.s32 s3, $0x2;
	p0 =	sne.s32 s3, $0x3FC0  }
.Ltmp0:
0x4c: {  	s3 =	sadd.s32 $0x40, s3;
	v5 =	vmul.f32 v1, v1;
	v1 =	vld [tilespmem:s5+$0x0];
	v6 =	vmul.f32 v3, v3;
	[tilespmem:s0+$0x4200] =	vst v4;
	(pc) =	sbr.rel @p0 .LBB2_2-.Ltmp0, $4  }
0x4d: {  	s0 =	smov.u32 s2;
	s2 =	smov.u32 s5;
	v3 =	vld [tilespmem:s5+$0x1080]  }
0x4e: {  	v4 =	vadd.f32 v6, v5;
	v5 =	vmul.f32 v2, v2  }
0x4f: {  	v2 =	vld [tilespmem:s2+$0x2100]  }
0x50: {  	v4 =	vadd.f32 v5, v4  }
0x51: {  	_ = 	snop  }
0x52: {  	v1 =	vmul.f32 v1, v1;
	v3 =	vmul.f32 v3, v3;
	_ =	sdelay $0x1  }
.Ltmp1:
0x53: {  	v1 =	vadd.f32 v3, v1;
	v2 =	vmul.f32 v2, v2;
	(pc) =	sbr.rel .LBB2_4-.Ltmp1, $4  }
0x54: {  	_ = 	snop  }
0x55: {  	v1 =	vadd.f32 v2, v1  }
0x56: {  	[tilespmem:s0+$0x4200] =	vst v4  }
0x57: {  	s7 =	simm.s32 $0x0;
	[tilespmem:s2+$0x4200] =	vst v1  }
.LBB2_29:
0x58: {  	v8 =	vimm.s32 $0x0;
	v7 =	vimm.s32 $0x0;
	v9 =	vimm.s32 $0x0  }
.LBB2_37:
0x59: {  	_ =	sdelay $0x3  }
0x5a: {  	v5 =	vld.idx.msk [tilespmem:v8+s18+$0x0], $0xffff  }
0x5b: {  	v6 =	vld.idx.msk [tilespmem:v8+s19+$0x0], $0xffff  }
0x5c: {  	v11 =	vld.idx.msk [tilespmem:v7+s18+$0x0], $0xffff  }
0x5d: {  	v12 =	vld.idx.msk [tilespmem:v7+s19+$0x0], $0xffff  }
0x5e: {  	s9 =	simm.s32 $0x0;
	v14 =	vld.idx.msk [tilespmem:v9+s18+$0x0], $0xffff  }
0x5f: {  	v4 =	vld.idx.msk [tilespmem:v8+s9+$0x0], $0xffff  }
0x60: {  	v10 =	vld.idx.msk [tilespmem:v7+s9+$0x0], $0xffff  }
0x61: {  	v15 =	vld.idx.msk [tilespmem:v9+s19+$0x0], $0xffff  }
0x62: {  	v13 =	vld.idx.msk [tilespmem:v9+s9+$0x0], $0xffff;
	v5 =	vsub.f32 v3, v5  }
0x63: {  	v11 =	vsub.f32 v3, v11;
	v60 =	vsub.f32 v1, v6  }
0x64: {  	v61 =	vsub.f32 v1, v12;
	v4 =	vsub.f32 v2, v4  }
0x65: {  	v3 =	vsub.f32 v3, v14;
	v10 =	vsub.f32 v2, v10  }
0x66: {  	v1 =	vsub.f32 v1, v15;
	v5 =	vmul.f32 v5, v5;
	v4 =	vmul.f32 v4, v4  }
0x67: {  	v2 =	vsub.f32 v2, v13;
	v11 =	vmul.f32 v11, v11;
	v10 =	vmul.f32 v10, v10  }
0x68: {  	v6 =	vmul.f32 v61, v61;
	v4 =	vadd.f32 v5, v4;
	v5 =	vmul.f32 v60, v60  }
0x69: {  	v3 =	vmul.f32 v3, v3;
	v2 =	vmul.f32 v2, v2;
	v10 =	vadd.f32 v11, v10  }
0x6a: {  	v4 =	vadd.f32 v5, v4  }
0x6b: {  	v1 =	vmul.f32 v1, v1;
	v2 =	vadd.f32 v3, v2;
	v62 =	vadd.f32 v6, v10  }
0x6c: {  	v3 =	vmax.f32 v4, $1.000000020e-16  }
0x6d: {  	v1 =	vadd.f32 v1, v2;
	(erf) = vrcp.f32 v3;
	v3 =	vmax.f32 v62, $1.000000020e-16  }
0x6e: {  	(erf) = vrcp.f32 v3  }
0x6f: {  	v1 =	vmax.f32 v1, $1.000000020e-16  }
0x70: {  	(erf) = vrcp.f32 v1;
	_ =	sdelay $0x5  }
0x71: {  	v1 =	vpop (erf)  }
0x72: {  	v2 =	vpop (erf)  }
0x73: {  	v3 =	vadd.f32 v2, v1  }
0x74: {  	v63 =	vpop (erf)  }
0x75: {  	v3 =	vadd.f32 v63, v3;
	_ =	sdelay $0x1  }
0x76: {  	(erf) = vrcp.f32 v3;
	_ =	sdelay $0x7  }
0x77: {  	s7 =	sadd.s32 $0x1, s7  }
0x78: {  	[tilespmem:s8+$0x5B80] =	vst v8;
	p0 =	sne.s32 s7, $0x20;
	v3 =	vpop (erf)  }
.Ltmp2:
0x79: {  	[tilespmem:s8+$0x5D80] =	vst v7;
	v1 =	vmul.f32 v3, v1;
	(pc) =	sbr.rel @!p0 .LBB2_38-.Ltmp2, $4  }
0x7a: {  	[tilespmem:s8+$0x5F80] =	vst v9;
	v2 =	vmul.f32 v3, v2  }
0x7b: {  	[tilespmem:s8+$0x6180] =	vst v1;
	v1 =	vmul.f32 v3, v63  }
0x7c: {  	[tilespmem:s8+$0x6380] =	vst v2  }
0x7d: {  	[tilespmem:s8+$0x6580] =	vst v1;
	s8 =	simm.s32 $0x0  }
.LBB2_4:
0x7e: {  	s8 =	sshll.u32 s7, $0x4  }
0x7f: {  	v7 =	vld [tilespmem:s8+$0x5880];
	_ =	sdelay $0x7  }
0x80: {  	v1 =	vld.idx.msk [tilespmem:v7+s15+$0x0], $0xffff  }
0x81: {  	v2 =	vld.idx.msk [tilespmem:v7+s26+$0x0], $0xffff;
	_ =	sdelay $0x3  }
0x82: {  	(v2sf) =	vpush v1, $0x0  }
0x83: {  	(v2sf) =	vpush v2, $0xF  }
0x84: {  	(v2sf) =	vpush v7, $0x0  }
0x85: {  	(v2sf) =	vpush v7, $0xF;
	_ =	sdelay $0xb  }
0x86: {  	s10 =	spop (v2sf)  }
0x87: {  	s9 =	spop (v2sf)  }
0x88: {  	v3 =	vld [tilespmem:s8+$0x5480];
	s0 =	spop (v2sf)  }
0x89: {  	v1 =	vld [tilespmem:s8+$0x5680];
	s2 =	spop (v2sf)  }
0x8a: {  	v2 =	vld [tilespmem:s8+$0x5280];
	p0 =	sne.s32 s0, s2  }
.Ltmp3:
0x8b: {  	_ = 	snop;
	(pc) =	sbr.rel @p0 .LBB2_28-.Ltmp3, $3  }
0x8c: {  	_ =	sdelay $0x1  }
0x8d: {  	v4 =	vadd.f32 v3, v3  }
0x8e: {  	v5 =	vadd.f32 v1, v1;
	v6 =	vadd.f32 v2, v2;
	s0 =	ssub.s32 s9, s10  }
0x8f: {  	p0 =	sne.s32 s9, s10;
	s2 =	simm.s32 $0x1  }
0x90: {  	s3 =	sshra.s32 s0, $0x1F;
	s2 =	simm.s32 @!p0 $0x0  }
0x91: {  	s5 =	sand.u32 $0x3, s0;
	s2 =	sor.u32 s2, s3  }
0x92: {  	p1 =	sne.s32 s5, $0x0;
	p6 =	sne.s32 s2, $0x1  }
0x93: {  	s12 =	sshrl.u32 s3, $0x1E;
	p0 =	por !p1, !p6  }
0x94: {  	s13 =	sadd.s32 s12, s0;
	s2 =	simm.s32 $0x1;
	p0 =	por !p0, !p0  }
0x95: {  	s0 =	sshra.s32 s13, $0x2;
	s2 =	simm.s32 @!p0 $0x0  }
0x96: {  	s11 =	ssub.s32 s0, s2  }
0x97: {  	p0 =	slt.s32 s11, $0x1  }
.Ltmp4:
0x98: {  	_ = 	snop;
	(pc) =	sbr.rel @p0 .LBB2_6-.Ltmp4, $1  }
0x99: {  	_ =	sdelay $0x3  }
0x9a: {  	s16 =	sadd.s32 $0x3, s10  }
0x9b: {  	s3 =	sadd.s32 $0xFFFFFFFE, s16  }
0x9c: {  	s31 =	sadd.s32 $0xFFFFFFFD, s16;
	v7 =	vmov s3  }
0x9d: {  	v8 =	vmov s31;
	_ =	sdelay $0x3  }
0x9e: {  	s5 =	sadd.s32 $0xFFFFFFFF, s16;
	v10 =	vld.idx.msk [tilespmem:v7+s18+$0x0], $0xffff  }
0x9f: {  	v17 =	vmov s5;
	v11 =	vld.idx.msk [tilespmem:v8+s18+$0x0], $0xffff  }
0xa0: {  	v12 =	vld.idx.msk [tilespmem:v8+s4+$0x0], $0xffff  }
0xa1: {  	v13 =	vld.idx.msk [tilespmem:v7+s4+$0x0], $0xffff  }
0xa2: {  	v9 =	vld.idx.msk [tilespmem:v7+s19+$0x0], $0xffff  }
0xa3: {  	v15 =	vld.idx.msk [tilespmem:v8+s19+$0x0], $0xffff  }
0xa4: {  	v14 =	vld.idx.msk [tilespmem:v17+s18+$0x0], $0xffff  }
0xa5: {  	v16 =	vld.idx.msk [tilespmem:v17+s19+$0x0], $0xffff;
	v11 =	vmul.f32 v11, v4;
	v10 =	vmul.f32 v10, v4  }
0xa6: {  	v19 =	vld.idx.msk [tilespmem:v8+s29+$0x0], $0xffff;
	v8 =	vmul.f32 v12, v6;
	v12 =	vmul.f32 v13, v6  }
0xa7: {  	v20 =	vld.idx.msk [tilespmem:v7+s29+$0x0], $0xffff;
	v13 =	vmov s16;
	v9 =	vmul.f32 v9, v5  }
0xa8: {  	p1 =	sne.s32 s11, $0x1;
	v18 =	vld.idx.msk [tilespmem:v17+s4+$0x0], $0xffff;
	v7 =	vadd.f32 v11, v8;
	v11 =	vmul.f32 v15, v5;
	v10 =	vadd.f32 v10, v12  }
.Ltmp5:
0xa9: {  	_ = 	snop;
	(pc) =	sbr.rel @!p1 .LBB2_8-.Ltmp5, $4  }
0xaa: {  	v11 =	vadd.f32 v11, v7;
	v10 =	vadd.f32 v9, v10  }
0xab: {  	v23 =	vmul.f32 v16, v5  }
0xac: {  	v8 =	vimm.f32 $+Inf;
	v11 =	vsub.f32 v19, v11;
	v10 =	vsub.f32 v20, v10  }
0xad: {  	s0 =	sadd.s32 $0xFFFFFFFF, s11;
	p0 =	por $0x0, $0x0;
	s12 =	sadd.s32 $0x4, s16;
	v12 =	vmul.f32 v14, v4;
	v14 =	vmul.f32 v18, v6;
	v7 =	vimm.s32 $0x0;
	v9 =	vld.idx.msk [tilespmem:v13+s29+$0x0], $0xffff  }
0xae: {  	s30 =	smov.u32 s1  }
0xaf: {  	s1 =	smov.u32 s6;
	s6 =	smov.u32 s14;
	s14 =	sadd.s32 $0xFFFFFFFE, s12  }
0xb0: {  	s13 =	sadd.s32 $0xFFFFFFFF, s12;
	v18 =	vmov s14  }
0xb1: {  	v15 =	vmov s13  }
0xb2: {  	v16 =	vld.idx.msk [tilespmem:v13+s19+$0x0], $0xffff  }
0xb3: {  	s15 =	sadd.s32 $0xFFFFFFFD, s12;
	v19 =	vld.idx.msk [tilespmem:v13+s18+$0x0], $0xffff  }
0xb4: {  	v13 =	vld.idx.msk [tilespmem:v13+s4+$0x0], $0xffff;
	v20 =	vmov s15  }
0xb5: {  	v21 =	vld.idx.msk [tilespmem:v18+s19+$0x0], $0xffff  }
0xb6: {  	v22 =	vld.idx.msk [tilespmem:v15+s18+$0x0], $0xffff  }
0xb7: {  	v24 =	vld.idx.msk [tilespmem:v15+s4+$0x0], $0xffff  }
0xb8: {  	v25 =	vld.idx.msk [tilespmem:v18+s18+$0x0], $0xffff  }
0xb9: {  	v26 =	vld.idx.msk [tilespmem:v20+s18+$0x0], $0xffff  }
0xba: {  	v27 =	vld.idx.msk [tilespmem:v20+s4+$0x0], $0xffff  }
0xbb: {  	v28 =	vld.idx.msk [tilespmem:v18+s4+$0x0], $0xffff  }
0xbc: {  	v30 =	vld.idx.msk [tilespmem:v15+s19+$0x0], $0xffff  }
0xbd: {  	vm1 =	vlt.f32 v11, v8;
	v19 =	vmul.f32 v19, v4;
	v31 =	vmul.f32 v16, v5;
	v32 =	vld.idx.msk [tilespmem:v20+s19+$0x0], $0xffff  }
0xbe: {  	v29 =	vadd.f32 v12, v14;
	v12 =	vmul.f32 v22, v4;
	v14 =	vmul.f32 v24, v6  }
0xbf: {  	vm3 =	vmmov vm1;
	v22 =	vmul.f32 v13, v6;
	v24 =	vmul.f32 v26, v4  }
0xc0: {  	vm2 =	vmmov vm1;
	v25 =	vmul.f32 v25, v4;
	v26 =	vld.idx.msk [tilespmem:v20+s29+$0x0], $0xffff;
	v20 =	vmul.f32 v27, v6  }
0xc1: {  	v27 =	vmul.f32 v28, v6;
	v13 =	vmov s12;
	v28 =	vmul.f32 v21, v5  }
0xc2: {  	v18 =	vld.idx.msk [tilespmem:v18+s29+$0x0], $0xffff;
	v16 =	vmul.f32 v30, v5;
	v30 =	vmul.f32 v32, v5;
	v21 =	vadd.f32 v23, v29  }
0xc3: {  	p1 =	sne.s32 s0, $0x1;
	v24 =	vadd.f32 v24, v20;
	v25 =	vadd.f32 v25, v27;
	v20 =	vsel vm1, v11, v8  }
.Ltmp6:
0xc4: {  	v29 =	vimm.f32 $+Inf;
	v19 =	vadd.f32 v19, v22;
	vm0 =	vlt.f32 v10, v20;
	(pc) =	sbr.rel @!p1 .LBB2_10-.Ltmp6, $4  }
0xc5: {  	v27 =	vsel vm1, v8, v20;
	v23 =	vadd.f32 v30, v24;
	v25 =	vadd.f32 v28, v25  }
0xc6: {  	v22 =	vadd.f32 v31, v19;
	v24 =	vsel vm1, s31, v7;
	v28 =	vimm.s32 $0x0  }
0xc7: {  	v30 =	vld.idx.msk [tilespmem:v17+s29+$0x0], $0xffff;
	v19 =	vsel vm1, v7, v24;
	v34 =	vsub.f32 v26, v23;
	v31 =	vsub.f32 v18, v25  }
0xc8: {  	s0 =	sadd.s32 $0xFFFFFFFF, s0;
	s2 =	sadd.s32 $0x4, s12;
	p0 =	por $0x1, $0x1;
	v23 =	vld.idx.msk [tilespmem:v13+s29+$0x0], $0xffff;
	v18 =	vsel vm0, v10, v20;
	v26 =	vimm.s32 $0x0;
	v25 =	vimm.f32 $+Inf  }
.LBB2_11:
0xc9: {  	s25 =	sadd.s32 $0xFFFFFFFD, s2;
	s26 =	sadd.s32 $0xFFFFFFFE, s2;
	s24 =	sadd.s32 $0xFFFFFFFF, s2;
	v17 =	vld.idx.msk [tilespmem:v13+s19+$0x0], $0xffff;
	v26 =	vsel vm1, s31, v26;
	v29 =	vsel vm3, v11, v29;
	vm4 =	vlt.f32 v10, v27;
	v11 =	vmovc v34  }
0xca: {  	p1 =	sne.s32 s0, $0x1;
	s0 =	sadd.s32 $0xFFFFFFFF, s0;
	s31 =	smov.u32 s15;
	v32 =	vmov s25;
	v33 =	vmov s26;
	v34 =	vld.idx.msk [tilespmem:v13+s18+$0x0], $0xffff;
	v26 =	vsel vm3, v28, v26  }
0xcb: {  	v35 =	vmov s24;
	v25 =	vsel vm2, v25, v29;
	v27 =	vsel vm4, v10, v27;
	s15 =	smov.u32 s25  }
0xcc: {  	vm1 =	vlt.f32 v10, v25;
	v26 =	vsel vm4, s3, v26;
	v21 =	vsub.f32 v30, v21  }
0xcd: {  	v30 =	vsel vm0, s3, v24;
	v28 =	vsel vm1, v10, v25;
	v29 =	vsel vm1, s3, v19;
	v10 =	vmovc v31;
	s3 =	smov.u32 s14;
	s14 =	smov.u32 s26  }
0xce: {  	v31 =	vadd.f32 v12, v14;
	v12 =	vsel vm0, v20, v28;
	v36 =	vld.idx.msk [tilespmem:v13+s4+$0x0], $0xffff;
	v13 =	vsel vm0, v24, v29  }
0xcf: {  	v22 =	vsub.f32 v9, v22;
	v14 =	vsel vm1, v25, v27;
	vm2 =	vlt.f32 v21, v12;
	v20 =	vld.idx.msk [tilespmem:v33+s19+$0x0], $0xffff  }
0xd0: {  	v17 =	vmul.f32 v17, v5;
	v27 =	vmul.f32 v34, v4;
	v25 =	vsel vm2, v21, v12;
	v24 =	vld.idx.msk [tilespmem:v35+s18+$0x0], $0xffff  }
0xd1: {  	v9 =	vmovc v23;
	vm3 =	vlt.f32 v21, v14;
	vm4 =	vlt.f32 v21, v18;
	v28 =	vsel vm2, s5, v13;
	v34 =	vld.idx.msk [tilespmem:v35+s19+$0x0], $0xffff  }
0xd2: {  	v14 =	vsel vm3, v21, v14;
	v25 =	vsel vm4, v18, v25;
	v37 =	vsel vm4, v30, v28;
	v23 =	vld.idx.msk [tilespmem:v35+s4+$0x0], $0xffff  }
0xd3: {  	v19 =	vsel vm1, v19, v26;
	v12 =	vsel vm2, v12, v14;
	vm0 =	vlt.f32 v22, v25;
	v38 =	vld.idx.msk [tilespmem:v33+s18+$0x0], $0xffff  }
0xd4: {  	v26 =	vsel vm4, s5, v30;
	vm1 =	vlt.f32 v22, v12;
	v28 =	vsel vm0, v22, v25;
	v39 =	vld.idx.msk [tilespmem:v32+s19+$0x0], $0xffff  }
0xd5: {  	v14 =	vsel vm3, s5, v19;
	s5 =	smov.u32 s13;
	s13 =	smov.u32 s24;
	v19 =	vsel vm1, v22, v12;
	v40 =	vsel vm0, s16, v37;
	v30 =	vld.idx.msk [tilespmem:v32+s18+$0x0], $0xffff  }
0xd6: {  	v13 =	vsel vm2, v13, v14;
	v18 =	vsel vm4, v21, v18;
	v12 =	vmul.f32 v24, v4;
	v41 =	vld.idx.msk [tilespmem:v32+s4+$0x0], $0xffff  }
0xd7: {  	vm2 =	vlt.f32 v22, v18;
	v19 =	vsel vm0, v25, v19;
	v24 =	vsel vm1, s16, v13;
	v21 =	vld.idx.msk [tilespmem:v33+s4+$0x0], $0xffff  }
0xd8: {  	v25 =	vsel vm2, v22, v18;
	v29 =	vsel vm2, v18, v28;
	v14 =	vmul.f32 v23, v6  }
0xd9: {  	v18 =	vmul.f32 v36, v6;
	v28 =	vsel vm2, v26, v40;
	v13 =	vmov s2  }
0xda: {  	v36 =	vsel vm2, s16, v26;
	v22 =	vmul.f32 v20, v5;
	s16 =	smov.u32 s12;
	s12 =	smov.u32 s2;
	v34 =	vmul.f32 v34, v5  }
0xdb: {  	v26 =	vsel vm0, v37, v24;
	v23 =	vmul.f32 v30, v4;
	v30 =	vmul.f32 v38, v4  }
0xdc: {  	vm2 =	vlt.f32 v11, v25;
	v18 =	vadd.f32 v27, v18;
	v24 =	vld.idx.msk [tilespmem:v32+s29+$0x0], $0xffff;
	v32 =	vmul.f32 v41, v6  }
0xdd: {  	v20 =	vsel vm2, v11, v25;
	v27 =	vmul.f32 v21, v6;
	v21 =	vadd.f32 v16, v31;
	v33 =	vld.idx.msk [tilespmem:v33+s29+$0x0], $0xffff  }
0xde: {  	v16 =	vmov v34;
	v31 =	vadd.f32 v23, v32;
	v32 =	vmul.f32 v39, v5;
	v23 =	vld.idx.msk [tilespmem:v13+s29+$0x0], $0xffff  }
.Ltmp7:
0xdf: {  	vm3 =	vlt.f32 v11, v29;
	vm1 =	vlt.f32 v11, v19;
	v27 =	vadd.f32 v30, v27;
	(pc) =	sbr.rel @p1 .LBB2_11-.Ltmp7, $4  }
0xe0: {  	v19 =	vsel vm1, v11, v19;
	vm0 =	vlt.f32 v10, v20;
	v31 =	vadd.f32 v32, v31  }
0xe1: {  	v32 =	vadd.f32 v22, v27;
	v27 =	vsel vm3, v29, v19;
	v22 =	vadd.f32 v17, v18;
	v30 =	vld.idx.msk [tilespmem:v15+s29+$0x0], $0xffff  }
0xe2: {  	v17 =	vsel vm3, s31, v28;
	v15 =	vmovc v35;
	v34 =	vsub.f32 v24, v31;
	v24 =	vsel vm2, s31, v36  }
0xe3: {  	s2 =	sadd.s32 $0x4, s2;
	v18 =	vsel vm0, v10, v20;
	v19 =	vsel vm2, v36, v17;
	v31 =	vsub.f32 v33, v32  }
0xe4: {  	s24 =	smov.u32 s31;
	s25 =	smov.u32 s3  }
0xe5: {  	s2 =	smov.u32 s5;
	s0 =	smov.u32 s16;
	s31 =	smov.u32 s15  }
0xe6: {  	s3 =	smov.u32 s14;
	s5 =	smov.u32 s13;
	s16 =	smov.u32 s12  }
0xe7: {  	v33 =	vmov v11;
	v32 =	vmov v10;
	v35 =	vmov v9;
	s14 =	smov.u32 s6;
	s6 =	smov.u32 s1;
	s1 =	smov.u32 s30  }
0xe8: {  	v11 =	vmovc v34;
	v9 =	vmovc v23;
	v23 =	vmov v16;
	v17 =	vmov v15;
	s15 =	simm.s32 $0x5A80;
	s26 =	simm.s32 $0x5B00;
	s30 =	simm.s32 $0x40;
	v10 =	vmov v31  }
.LBB2_13:
0xe9: {  	_ =	sdelay $0x2  }
0xea: {  	v16 =	vsel @p0 vm1, s24, v26;
	v26 =	vsel @p0 vm3, v33, v29  }
0xeb: {  	v15 =	vld.idx.msk [tilespmem:v13+s19+$0x0], $0xffff;
	vm1 =	vlt.f32 @p0 v32, v27;
	v21 =	vsub.f32 @p0 v30, v21;
	v30 =	vsel @p0 vm0, s25, v24  }
0xec: {  	v57 =	vld.idx.msk [tilespmem:v13+s18+$0x0], $0xffff;
	v12 =	vadd.f32 v12, v14;
	v22 =	vsub.f32 @p0 v35, v22;
	v25 =	vsel @p0 vm2, v25, v26  }
0xed: {  	v13 =	vld.idx.msk [tilespmem:v13+s4+$0x0], $0xffff;
	v16 =	vsel @p0 vm3, v28, v16;
	v26 =	vsel @p0 vm1, v32, v27;
	vm2 =	vlt.f32 @p0 v32, v25  }
0xee: {  	v17 =	vld.idx.msk [tilespmem:v17+s29+$0x0], $0xffff;
	v16 =	vsel @p0 vm1, s25, v16;
	vm3 =	vlt.f32 @p0 v21, v18;
	v12 =	vadd.f32 v23, v12  }
0xef: {  	v27 =	vsel @p0 vm2, v32, v25;
	v28 =	vsel @p0 vm2, s25, v19;
	v16 =	vsel @p0 vm2, v19, v16  }
0xf0: {  	v19 =	vsel @p0 vm3, s2, v30;
	v14 =	vsel @p0 vm0, v20, v27;
	v20 =	vsel @p0 vm0, v24, v28  }
0xf1: {  	v24 =	vsel @p0 vm2, v25, v26;
	vm0 =	vlt.f32 @p0 v21, v14;
	v58 =	vmul.f32 v57, v4  }
0xf2: {  	v15 =	vmul.f32 v15, v5;
	vm1 =	vlt.f32 @p0 v21, v24;
	v13 =	vmul.f32 v13, v6  }
0xf3: {  	v12 =	vsub.f32 v17, v12;
	v26 =	vsel @p0 vm0, v21, v14;
	v27 =	vsel @p0 vm0, s2, v20  }
0xf4: {  	v24 =	vsel @p0 vm1, v21, v24;
	v16 =	vsel @p0 vm1, s2, v16;
	v26 =	vsel @p0 vm3, v18, v26  }
0xf5: {  	v27 =	vsel @p0 vm3, v30, v27;
	v14 =	vsel @p0 vm0, v14, v24;
	v16 =	vsel @p0 vm0, v20, v16  }
0xf6: {  	v18 =	vsel @p0 vm3, v21, v18;
	v13 =	vadd.f32 v58, v13;
	vm2 =	vlt.f32 @p0 v22, v26  }
0xf7: {  	vm4 =	vlt.f32 @p0 v22, v14;
	vm0 =	vlt.f32 @p0 v22, v18;
	v24 =	vsel @p0 vm2, v22, v26  }
0xf8: {  	v14 =	vsel @p0 vm4, v22, v14;
	v28 =	vsel @p0 vm2, s0, v27;
	v16 =	vsel @p0 vm4, s0, v16  }
0xf9: {  	v13 =	vadd.f32 v15, v13;
	v14 =	vsel @p0 vm2, v26, v14;
	v20 =	vsel @p0 vm0, v18, v24  }
0xfa: {  	v18 =	vsel @p0 vm0, v22, v18;
	v21 =	vsel @p0 vm0, v19, v28;
	v19 =	vsel @p0 vm0, s0, v19  }
0xfb: {  	v16 =	vsel @p0 vm2, v27, v16;
	v18 =	vpsel p0, v18, v8;
	v14 =	vpsel p0, v14, v8  }
0xfc: {  	v8 =	vpsel p0, v20, v8;
	v60 =	vpsel p0, v21, v7;
	v19 =	vpsel p0, v19, v7  }
0xfd: {  	v7 =	vpsel p0, v16, v7;
	v9 =	vsub.f32 v9, v13;
	vm15 =	vlt.f32 v11, v18  }
0xfe: {  	vm6 =	vlt.f32 v11, v14;
	vm7 =	vlt.f32 v11, v8;
	v59 =	vsel vm15, v11, v18  }
0xff: {  	v14 =	vsel vm6, v11, v14;
	v21 =	vsel vm7, s31, v60;
	v15 =	vsel vm15, s31, v19  }
0x100: {  	v7 =	vsel vm6, s31, v7;
	vm8 =	vlt.f32 v10, v59;
	v14 =	vsel vm7, v8, v14  }
0x101: {  	v19 =	vsel vm15, v19, v21;
	v8 =	vsel vm7, v11, v8;
	v7 =	vsel vm7, v60, v7  }
0x102: {  	v61 =	vsel vm8, v10, v59;
	vm9 =	vlt.f32 v10, v14;
	v8 =	vsel vm15, v18, v8  }
0x103: {  	v62 =	vsel vm8, s3, v15;
	v11 =	vsel vm9, v10, v14;
	vm0 =	vlt.f32 v10, v8  }
0x104: {  	v7 =	vsel vm9, s3, v7;
	vm12 =	vlt.f32 v12, v61;
	v10 =	vsel vm0, v10, v8  }
0x105: {  	v14 =	vsel vm0, s3, v19;
	v8 =	vsel vm0, v8, v11;
	v7 =	vsel vm0, v19, v7  }
0x106: {  	v17 =	vsel vm12, v12, v61;
	v10 =	vsel vm8, v59, v10;
	v14 =	vsel vm8, v15, v14  }
0x107: {  	vm11 =	vlt.f32 v12, v8;
	v15 =	vsel vm12, s5, v62;
	vm15 =	vlt.f32 v9, v17  }
0x108: {  	vm10 =	vlt.f32 v12, v10;
	v8 =	vsel vm11, v12, v8;
	v7 =	vsel vm11, s5, v7  }
0x109: {  	v11 =	vsel vm10, v12, v10;
	v13 =	vsel vm10, s5, v14;
	v8 =	vsel vm10, v10, v8  }
.Ltmp8:
0x10a: {  	v7 =	vsel vm10, v14, v7;
	v11 =	vsel vm12, v61, v11;
	vm14 =	vlt.f32 v9, v8;
	(pc) =	sbr.rel .LBB2_14-.Ltmp8, $4  }
0x10b: {  	v13 =	vsel vm12, v62, v13;
	vm13 =	vlt.f32 v9, v11;
	v8 =	vsel vm14, v9, v8  }
0x10c: {  	v14 =	vsel vm14, s16, v7;
	v10 =	vsel vm13, v9, v11;
	v63 =	vsel vm13, s16, v13  }
0x10d: {  	s24 =	simm.s32 $0x8780;
	v12 =	vsel vm13, v11, v8;
	v8 =	vsel vm15, s16, v15;
	v11 =	vsel vm15, v17, v10  }
0x10e: {  	s25 =	simm.s32 $0xA780;
	s31 =	simm.s32 $0xC780;
	s16 =	simm.s32 $0x6780;
	v10 =	vsel vm15, v9, v17;
	v7 =	vsel vm15, v15, v63;
	v9 =	vsel vm13, v13, v14  }
.LBB2_28:
0x10f: {  	s0 =	sadd.s32 $0x3, s0  }
0x110: {  	s2 =	sand.u32 $0x3, s0  }
0x111: {  	s3 =	sshra.s32 s0, $0x1F;
	p0 =	slt.s32 s0, $0x1;
	p1 =	sne.s32 s2, $0x0  }
0x112: {  	s13 =	sshrl.u32 s3, $0x1E;
	p0 =	por !p0, !p1  }
0x113: {  	s2 =	simm.s32 $0x1;
	s0 =	sadd.s32 s13, s0;
	p0 =	por !p0, !p0  }
0x114: {  	s0 =	sshra.s32 s0, $0x2;
	s2 =	simm.s32 @!p0 $0x0  }
0x115: {  	s0 =	ssub.s32 s0, s2  }
0x116: {  	p0 =	slt.s32 s0, $0x1  }
.Ltmp9:
0x117: {  	_ = 	snop;
	(pc) =	sbr.rel @p0 .LBB2_29-.Ltmp9, $1  }
0x118: {  	_ =	sdelay $0x3  }
0x119: {  	s9 =	sadd.s32 $0x3, s10  }
0x11a: {  	v24 =	vmov s9;
	_ =	sdelay $0x2  }
0x11b: {  	s10 =	sadd.s32 $0xFFFFFFFF, s9  }
0x11c: {  	v10 =	vmov s10  }
0x11d: {  	s3 =	sadd.s32 $0xFFFFFFFE, s9;
	v11 =	vld.idx.msk [tilespmem:v24+s20+$0x0], $0xffff  }
0x11e: {  	s11 =	sadd.s32 $0xFFFFFFFD, s9;
	v14 =	vmov s3;
	v19 =	vld.idx.msk [tilespmem:v24+s19+$0x0], $0xffff  }
0x11f: {  	v17 =	vmov s11;
	v16 =	vld.idx.msk [tilespmem:v24+s4+$0x0], $0xffff  }
0x120: {  	p1 =	sne.s32 s0, $0x1;
	v13 =	vld.idx.msk [tilespmem:v24+s18+$0x0], $0xffff  }
.Ltmp10:
0x121: {  	v15 =	vld.idx.msk [tilespmem:v10+s19+$0x0], $0xffff;
	(pc) =	sbr.rel @!p1 .LBB2_31-.Ltmp10, $4  }
0x122: {  	v18 =	vld.idx.msk [tilespmem:v10+s4+$0x0], $0xffff  }
0x123: {  	v21 =	vld.idx.msk [tilespmem:v14+s4+$0x0], $0xffff  }
0x124: {  	v25 =	vld.idx.msk [tilespmem:v17+s4+$0x0], $0xffff  }
0x125: {  	v9 =	vimm.f32 $+Inf;
	v8 =	vimm.s32 $0x0;
	s2 =	sadd.s32 $0xFFFFFFFF, s0;
	p0 =	por $0x0, $0x0;
	v26 =	vld.idx.msk [tilespmem:v17+s18+$0x0], $0xffff  }
0x126: {  	_ =	sdelay $0x3  }
0x127: {  	v12 =	vld.idx.msk [tilespmem:v14+s18+$0x0], $0xffff  }
0x128: {  	v20 =	vld.idx.msk [tilespmem:v17+s19+$0x0], $0xffff  }
0x129: {  	v22 =	vld.idx.msk [tilespmem:v10+s18+$0x0], $0xffff;
	v19 =	vmul.f32 v19, v5  }
0x12a: {  	v23 =	vld.idx.msk [tilespmem:v14+s19+$0x0], $0xffff;
	v16 =	vmul.f32 v16, v6;
	v15 =	vmul.f32 v15, v5  }
0x12b: {  	v27 =	vld.idx.msk [tilespmem:v17+s29+$0x0], $0xffff;
	v25 =	vmul.f32 v25, v6;
	v26 =	vmul.f32 v26, v4  }
0x12c: {  	v17 =	vld.idx.msk [tilespmem:v17+s20+$0x0], $0xffff;
	v13 =	vmul.f32 v13, v4;
	v21 =	vmul.f32 v21, v6  }
0x12d: {  	v28 =	vld.idx.msk [tilespmem:v14+s29+$0x0], $0xffff;
	v20 =	vmul.f32 v20, v5;
	v25 =	vadd.f32 v26, v25;
	v26 =	vmul.f32 v12, v4  }
0x12e: {  	v14 =	vld.idx.msk [tilespmem:v14+s20+$0x0], $0xffff;
	vm0 =	veq.s32 v7, v11;
	v18 =	vmul.f32 v18, v6;
	v22 =	vmul.f32 v22, v4  }
0x12f: {  	v23 =	vmul.f32 v23, v5;
	v20 =	vadd.f32 v20, v25;
	v21 =	vadd.f32 v26, v21;
	v25 =	vld.idx.msk [tilespmem:v10+s20+$0x0], $0xffff  }
0x130: {  	v13 =	vadd.f32 v13, v16;
	v16 =	vsel vm0, $0x0, v0;
	v11 =	vadd.f32 v22, v18;
	v10 =	vld.idx.msk [tilespmem:v10+s29+$0x0], $0xffff  }
0x131: {  	s12 =	sadd.s32 $0x4, s9;
	vm1 =	veq.s32 v7, v17;
	v18 =	vsub.f32 v27, v20;
	v17 =	vadd.f32 v23, v21  }
0x132: {  	v12 =	vmov s12;
	v11 =	vadd.f32 v15, v11;
	v20 =	vsel vm1, $0x0, v0;
	v21 =	vld.idx.msk [tilespmem:v24+s29+$0x0], $0xffff  }
0x133: {  	vm1 =	veq.s32 v7, v14;
	v18 =	vadd.f32 v20, v18;
	v17 =	vsub.f32 v28, v17  }
0x134: {  	v13 =	vadd.f32 v19, v13;
	v14 =	vsel vm1, $0x0, v0;
	vm1 =	veq.s32 v7, v25  }
0x135: {  	s5 =	sadd.s32 $0xFFFFFFFE, s12;
	v10 =	vsub.f32 v10, v11;
	vm2 =	vlt.f32 v18, v9;
	v15 =	vadd.f32 v14, v17  }
0x136: {  	v11 =	vsel vm1, $0x0, v0;
	v14 =	vmov s5;
	v24 =	vsel vm2, v18, v9  }
0x137: {  	s0 =	sadd.s32 $0xFFFFFFFF, s12;
	v25 =	vsel vm2, s11, v8;
	v26 =	vadd.f32 v11, v10;
	v13 =	vsub.f32 v21, v13  }
0x138: {  	v19 =	vld.idx.msk [tilespmem:v12+s19+$0x0], $0xffff;
	v10 =	vmov s0;
	s11 =	sadd.s32 $0xFFFFFFFD, s12;
	vm3 =	vlt.f32 v15, v24;
	v18 =	vsel vm2, v9, v24  }
0x139: {  	v11 =	vld.idx.msk [tilespmem:v12+s20+$0x0], $0xffff;
	v17 =	vmov s11;
	v27 =	vsel vm2, v8, v25;
	v28 =	vsel vm3, v15, v24  }
0x13a: {  	v33 =	vsel vm3, s3, v25;
	v20 =	vadd.f32 v16, v13;
	v16 =	vld.idx.msk [tilespmem:v12+s4+$0x0], $0xffff;
	vm1 =	vlt.f32 v15, v18  }
0x13b: {  	p1 =	sne.s32 s2, $0x1;
	v13 =	vld.idx.msk [tilespmem:v12+s18+$0x0], $0xffff;
	vm4 =	vlt.f32 v26, v28;
	v21 =	vsel vm1, v15, v18;
	v30 =	vsel vm1, s3, v27  }
.Ltmp11:
0x13c: {  	v22 =	vsel vm4, v26, v28;
	v31 =	vsel vm1, v18, v21;
	v24 =	vsel vm3, v24, v21;
	v21 =	vld.idx.msk [tilespmem:v14+s4+$0x0], $0xffff;
	(pc) =	sbr.rel @!p1 .LBB2_33-.Ltmp11, $4  }
0x13d: {  	v23 =	vsel vm4, s10, v33;
	v29 =	vsel vm3, v25, v30;
	v15 =	vld.idx.msk [tilespmem:v10+s19+$0x0], $0xffff;
	vm2 =	vlt.f32 v26, v31  }
0x13e: {  	vm0 =	vlt.f32 v20, v22;
	v18 =	vld.idx.msk [tilespmem:v10+s4+$0x0], $0xffff;
	vm3 =	vlt.f32 v26, v24;
	v31 =	vsel vm2, v26, v31  }
0x13f: {  	v25 =	vld.idx.msk [tilespmem:v17+s4+$0x0], $0xffff;
	v34 =	vsel vm3, s10, v29;
	v32 =	vsel vm3, v24, v31;
	v24 =	vsel vm3, v26, v24  }
0x140: {  	p0 =	por $0x1, $0x1;
	s3 =	sadd.s32 $0xFFFFFFFF, s2;
	v26 =	vld.idx.msk [tilespmem:v17+s18+$0x0], $0xffff;
	v31 =	vsel vm4, v28, v24;
	v28 =	vsel vm4, v33, v34;
	vm4 =	vlt.f32 v20, v32  }
.LBB2_34:
0x141: {  	p1 =	sne.s32 s3, $0x1;
	v24 =	vld.idx.msk [tilespmem:v14+s18+$0x0], $0xffff;
	v27 =	vsel vm1, v27, v30;
	vm1 =	vlt.f32 v20, v31;
	v30 =	vsel vm4, v20, v32  }
0x142: {  	v32 =	vld.idx.msk [tilespmem:v17+s19+$0x0], $0xffff;
	v30 =	vsel vm1, v31, v30;
	v31 =	vsel vm1, v20, v31;
	v33 =	vsel vm1, s9, v28  }
0x143: {  	v27 =	vsel vm2, s10, v27;
	s10 =	smov.u32 s0;
	v34 =	vld.idx.msk [tilespmem:v10+s18+$0x0], $0xffff;
	v31 =	vsel vm0, v22, v31;
	v33 =	vsel vm0, v23, v33  }
0x144: {  	v36 =	vsel vm0, s9, v23;
	v27 =	vsel vm3, v29, v27;
	v29 =	vsel vm0, v20, v22;
	v35 =	vld.idx.msk [tilespmem:v14+s19+$0x0], $0xffff  }
0x145: {  	v19 =	vmul.f32 v19, v5;
	v22 =	vsel vm4, s9, v27;
	s9 =	smov.u32 s12;
	v20 =	vld.idx.msk [tilespmem:v17+s29+$0x0], $0xffff  }
0x146: {  	v23 =	vmul.f32 v25, v6;
	s12 =	sadd.s32 $0x4, s12;
	v25 =	vmul.f32 v26, v4;
	v26 =	vsel vm1, v28, v22;
	v17 =	vld.idx.msk [tilespmem:v17+s20+$0x0], $0xffff  }
0x147: {  	v16 =	vmul.f32 v16, v6;
	v21 =	vmul.f32 v21, v6;
	v22 =	vmov s12;
	v27 =	vld.idx.msk [tilespmem:v14+s29+$0x0], $0xffff  }
0x148: {  	v24 =	vmul.f32 v24, v4;
	v23 =	vadd.f32 v25, v23;
	v25 =	vmul.f32 v32, v5;
	v14 =	vld.idx.msk [tilespmem:v14+s20+$0x0], $0xffff  }
0x149: {  	v18 =	vmul.f32 v18, v6;
	vm0 =	veq.s32 v7, v11;
	v28 =	vmul.f32 v34, v4;
	v32 =	vld.idx.msk [tilespmem:v10+s20+$0x0], $0xffff  }
0x14a: {  	v21 =	vadd.f32 v24, v21;
	v11 =	vadd.f32 v25, v23;
	v23 =	vmul.f32 v35, v5;
	v10 =	vld.idx.msk [tilespmem:v10+s29+$0x0], $0xffff  }
0x14b: {  	v15 =	vmul.f32 v15, v5;
	v13 =	vmul.f32 v13, v4;
	v18 =	vadd.f32 v28, v18  }
0x14c: {  	v11 =	vsub.f32 v20, v11;
	vm1 =	veq.s32 v7, v17;
	v17 =	vadd.f32 v23, v21;
	v20 =	vld.idx.msk [tilespmem:v12+s29+$0x0], $0xffff  }
0x14d: {  	v13 =	vadd.f32 v13, v16;
	v21 =	vsel vm1, $0x0, v0;
	v15 =	vadd.f32 v15, v18;
	v12 =	vmovc v22  }
0x14e: {  	v16 =	vadd.f32 v21, v11;
	v11 =	vsub.f32 v27, v17;
	vm1 =	veq.s32 v7, v14  }
0x14f: {  	v13 =	vadd.f32 v19, v13;
	v14 =	vsel vm1, $0x0, v0;
	vm2 =	veq.s32 v7, v32  }
0x150: {  	vm1 =	vlt.f32 v16, v29;
	v18 =	vadd.f32 v14, v11;
	v10 =	vsub.f32 v10, v15  }
0x151: {  	v11 =	vsel vm2, $0x0, v0;
	v21 =	vsel vm1, v16, v29;
	v24 =	vsel vm1, s11, v36  }
0x152: {  	vm2 =	vlt.f32 v18, v21;
	v28 =	vadd.f32 v11, v10;
	v11 =	vsub.f32 v20, v13  }
0x153: {  	s0 =	sadd.s32 $0xFFFFFFFF, s12;
	v13 =	vsel vm0, $0x0, v0;
	v34 =	vsel vm2, v18, v21;
	v35 =	vsel vm2, s5, v24  }
0x154: {  	s2 =	sadd.s32 $0xFFFFFFFE, s12;
	v10 =	vmov s0;
	vm4 =	vlt.f32 v28, v34;
	v20 =	vadd.f32 v13, v11  }
0x155: {  	s13 =	sadd.s32 $0xFFFFFFFD, s12;
	v14 =	vmov s2;
	v22 =	vsel vm4, v28, v34;
	v23 =	vsel vm4, s10, v35  }
0x156: {  	v17 =	vmov s13;
	vm3 =	vlt.f32 v16, v30;
	vm0 =	vlt.f32 v20, v22  }
0x157: {  	vm5 =	vlt.f32 v16, v31;
	v15 =	vsel vm3, s11, v26;
	v13 =	vsel vm3, v16, v30;
	v11 =	vld.idx.msk [tilespmem:v12+s20+$0x0], $0xffff  }
0x158: {  	v26 =	vsel vm5, s11, v33;
	s11 =	smov.u32 s13;
	v25 =	vsel vm5, v31, v13;
	v13 =	vsel vm5, v16, v31;
	v19 =	vld.idx.msk [tilespmem:v12+s19+$0x0], $0xffff  }
0x159: {  	v27 =	vsel vm1, v36, v26;
	v29 =	vsel vm1, v29, v13;
	vm3 =	vlt.f32 v18, v25;
	v16 =	vld.idx.msk [tilespmem:v12+s4+$0x0], $0xffff  }
0x15a: {  	v26 =	vsel vm5, v33, v15;
	vm1 =	vlt.f32 v18, v29;
	v25 =	vsel vm3, v18, v25;
	v13 =	vld.idx.msk [tilespmem:v12+s18+$0x0], $0xffff  }
.Ltmp12:
0x15b: {  	v25 =	vsel vm1, v29, v25;
	v29 =	vsel vm1, v18, v29;
	v30 =	vsel vm1, s5, v27;
	v15 =	vld.idx.msk [tilespmem:v10+s19+$0x0], $0xffff;
	(pc) =	sbr.rel @p1 .LBB2_34-.Ltmp12, $4  }
0x15c: {  	v31 =	vsel vm2, v21, v29;
	v29 =	vsel vm2, v24, v30;
	vm2 =	vlt.f32 v28, v25;
	v18 =	vld.idx.msk [tilespmem:v10+s4+$0x0], $0xffff  }
0x15d: {  	v30 =	vsel vm3, s5, v26;
	s5 =	smov.u32 s2;
	vm3 =	vlt.f32 v28, v31;
	v24 =	vsel vm2, v28, v25;
	v21 =	vld.idx.msk [tilespmem:v14+s4+$0x0], $0xffff  }
0x15e: {  	v32 =	vsel vm3, v31, v24;
	v24 =	vsel vm3, v28, v31;
	v28 =	vsel vm3, s10, v29;
	v25 =	vld.idx.msk [tilespmem:v17+s4+$0x0], $0xffff  }
0x15f: {  	s3 =	sadd.s32 $0xFFFFFFFF, s3;
	v31 =	vsel vm4, v34, v24;
	v28 =	vsel vm4, v35, v28;
	vm4 =	vlt.f32 v20, v32;
	v26 =	vld.idx.msk [tilespmem:v17+s18+$0x0], $0xffff  }
0x160: {  	s2 =	smov.u32 s9;
	s13 =	smov.u32 s10  }
0x161: {  	s10 =	smov.u32 s0;
	s9 =	smov.u32 s12;
	v24 =	vmov v12;
	s3 =	smov.u32 s5  }
.LBB2_36:
0x162: {  	_ =	sdelay $0x2  }
0x163: {  	vm5 =	vlt.f32 @p0 v20, v31  }
0x164: {  	v12 =	vsel @p0 vm4, v20, v32;
	v43 =	vld.idx.msk [tilespmem:v14+s18+$0x0], $0xffff;
	v27 =	vsel @p0 vm1, v27, v30;
	v19 =	vmul.f32 v19, v5  }
0x165: {  	v44 =	vld.idx.msk [tilespmem:v17+s19+$0x0], $0xffff;
	v21 =	vmul.f32 v21, v6;
	v16 =	vmul.f32 v16, v6;
	vm8 =	veq.s32 v7, v11  }
0x166: {  	v34 =	vld.idx.msk [tilespmem:v10+s18+$0x0], $0xffff;
	v12 =	vsel @p0 vm5, v31, v12;
	v31 =	vsel @p0 vm5, v20, v31;
	v33 =	vsel @p0 vm5, s2, v28  }
0x167: {  	v45 =	vld.idx.msk [tilespmem:v14+s19+$0x0], $0xffff;
	v27 =	vsel @p0 vm2, s13, v27;
	v20 =	vsel @p0 vm0, v20, v22;
	v25 =	vmul.f32 v25, v6  }
0x168: {  	v47 =	vld.idx.msk [tilespmem:v17+s20+$0x0], $0xffff;
	v6 =	vmul.f32 v18, v6;
	v60 =	vsel vm8, $0x0, v0;
	v31 =	vsel @p0 vm0, v22, v31  }
0x169: {  	v51 =	vld.idx.msk [tilespmem:v14+s20+$0x0], $0xffff;
	v33 =	vsel @p0 vm0, v23, v33;
	v27 =	vsel @p0 vm3, v29, v27;
	v22 =	vsel @p0 vm0, s2, v23  }
0x16a: {  	v11 =	vld.idx.msk [tilespmem:v10+s20+$0x0], $0xffff;
	v26 =	vmul.f32 v26, v4;
	v12 =	vpsel p0, v12, v9;
	v27 =	vsel @p0 vm4, s2, v27  }
0x16b: {  	v46 =	vld.idx.msk [tilespmem:v17+s29+$0x0], $0xffff;
	v57 =	vpsel p0, v22, v8;
	v49 =	vmul.f32 v44, v5;
	v50 =	vmul.f32 v43, v4  }
0x16c: {  	v25 =	vadd.f32 v26, v25;
	v52 =	vmul.f32 v34, v4;
	v53 =	vmul.f32 v45, v5  }
0x16d: {  	v48 =	vld.idx.msk [tilespmem:v14+s29+$0x0], $0xffff;
	v27 =	vsel @p0 vm5, v28, v27;
	v5 =	vmul.f32 v15, v5;
	v4 =	vmul.f32 v13, v4  }
0x16e: {  	v10 =	vld.idx.msk [tilespmem:v10+s29+$0x0], $0xffff;
	vm9 =	veq.s32 v7, v47;
	vm10 =	veq.s32 v7, v51;
	v25 =	vadd.f32 v49, v25  }
0x16f: {  	vm11 =	veq.s32 v7, v11;
	v21 =	vadd.f32 v50, v21;
	v6 =	vadd.f32 v52, v6  }
0x170: {  	v7 =	vpsel p0, v20, v9;
	v9 =	vpsel p0, v31, v9;
	v54 =	vsub.f32 v46, v25  }
0x171: {  	v17 =	vsel vm9, $0x0, v0;
	v55 =	vadd.f32 v53, v21;
	v5 =	vadd.f32 v5, v6  }
0x172: {  	v63 =	vpsel p0, v27, v8;
	v4 =	vadd.f32 v4, v16;
	v6 =	vld.idx.msk [tilespmem:v24+s29+$0x0], $0xffff;
	v13 =	vadd.f32 v17, v54  }
0x173: {  	v8 =	vpsel p0, v33, v8;
	v15 =	vsub.f32 v48, v55;
	v5 =	vsub.f32 v10, v5  }
0x174: {  	v14 =	vsel vm10, $0x0, v0;
	v56 =	vsel vm11, $0x0, v0;
	v4 =	vadd.f32 v19, v4  }
0x175: {  	vm12 =	vlt.f32 v13, v7;
	v11 =	vadd.f32 v14, v15;
	v5 =	vadd.f32 v56, v5  }
0x176: {  	vm15 =	vlt.f32 v13, v12;
	vm8 =	vlt.f32 v13, v9;
	v10 =	vsel vm12, v13, v7  }
0x177: {  	v58 =	vsel vm12, s11, v57;
	v4 =	vsub.f32 v6, v4;
	v12 =	vsel vm15, v13, v12  }
0x178: {  	v19 =	vsel vm15, s11, v63;
	vm13 =	vlt.f32 v11, v10;
	v12 =	vsel vm8, v9, v12  }
0x179: {  	v9 =	vsel vm8, v13, v9;
	v6 =	vsel vm13, v11, v10;
	v59 =	vsel vm13, s3, v58  }
0x17a: {  	v4 =	vadd.f32 v60, v4;
	v7 =	vsel vm12, v7, v9;
	vm9 =	vlt.f32 v11, v12  }
0x17b: {  	v9 =	vsel vm8, s11, v8;
	v8 =	vsel vm8, v8, v19;
	vm14 =	vlt.f32 v5, v6  }
0x17c: {  	vm10 =	vlt.f32 v11, v7;
	v12 =	vsel vm9, v11, v12;
	v9 =	vsel vm12, v57, v9  }
0x17d: {  	v8 =	vsel vm9, s3, v8;
	v61 =	vsel vm14, v5, v6;
	v62 =	vsel vm14, s10, v59  }
0x17e: {  	v12 =	vsel vm10, v7, v12;
	v7 =	vsel vm10, v11, v7;
	v8 =	vsel vm10, v9, v8  }
0x17f: {  	v7 =	vsel vm13, v10, v7;
	vm11 =	vlt.f32 v5, v12;
	v10 =	vsel vm10, s3, v9  }
0x180: {  	vm12 =	vlt.f32 v5, v7;
	v11 =	vsel vm11, v5, v12;
	v10 =	vsel vm13, v58, v10  }
.Ltmp13:
0x181: {  	v11 =	vsel vm12, v7, v11;
	v5 =	vsel vm12, v5, v7;
	v7 =	vsel vm12, s10, v10;
	(pc) =	sbr.rel .LBB2_37-.Ltmp13, $4  }
0x182: {  	v5 =	vsel vm14, v6, v5;
	v6 =	vsel vm14, v59, v7;
	v7 =	vsel vm11, s10, v8  }
0x183: {  	vm13 =	vlt.f32 v4, v11;
	vm14 =	vlt.f32 v4, v5;
	v5 =	vsel vm12, v10, v7  }
0x184: {  	vm15 =	vlt.f32 v4, v61;
	v4 =	vsel vm14, s9, v6;
	v5 =	vsel vm13, s9, v5  }
0x185: {  	v8 =	vsel vm15, s9, v62;
	v7 =	vsel vm15, v62, v4;
	v9 =	vsel vm14, v6, v5  }
.LBB2_6:
0x186: {  	v8 =	vimm.s32 $0x0;
	v10 =	vimm.f32 $+Inf;
	v11 =	vimm.f32 $+Inf  }
0x187: {  	v12 =	vimm.f32 $+Inf;
	v7 =	vimm.s32 $0x0;
	v9 =	vimm.s32 $0x0  }
.LBB2_14:
0x188: {  	s0 =	sshll.u32 s11, $0x2  }
0x189: {  	s3 =	sadd.s32 s10, s0  }
0x18a: {  	p0 =	sge.s32 s3, s9  }
.Ltmp14:
0x18b: {  	_ = 	snop;
	(pc) =	sbr.rel @p0 .LBB2_37-.Ltmp14, $1  }
0x18c: {  	_ =	sdelay $0x3  }
0x18d: {  	s5 =	sadd.s32 $0x1, s3  }
0x18e: {  	p4 =	slt.s32 s5, s9  }
.Ltmp15:
0x18f: {  	_ = 	snop;
	(pc) =	sbr.rel @!p4 .LBB2_16-.Ltmp15, $3  }
0x190: {  	_ =	sdelay $0x1  }
0x191: {  	p0 =	por $0x0, $0x0  }
0x192: {  	p1 =	por $0x0, $0x0;
	p2 =	por $0x0, $0x0;
	p3 =	por $0x0, $0x0  }
0x193: {  	v21 =	vmov s3;
	s11 =	sadd.s32 $0x1, s5  }
0x194: {  	p4 =	slt.s32 s11, s9  }
.Ltmp16:
0x195: {  	_ = 	snop;
	(pc) =	sbr.rel @!p4 .LBB2_18-.Ltmp16, $3  }
0x196: {  	_ =	sdelay $0x1  }
0x197: {  	v28 =	vld.idx.msk [tilespmem:v21+s19+$0x0], $0xffff  }
0x198: {  	p0 =	por $0x1, $0x1;
	v13 =	vld.idx.msk [tilespmem:v21+s4+$0x0], $0xffff  }
0x199: {  	_ =	sdelay $0x2  }
0x19a: {  	v15 =	vmov s5;
	s2 =	sadd.s32 $0x1, s11  }
0x19b: {  	v16 =	vld.idx.msk [tilespmem:v21+s18+$0x0], $0xffff;
	p4 =	slt.s32 s2, s9  }
.Ltmp17:
0x19c: {  	_ = 	snop;
	(pc) =	sbr.rel @!p4 .LBB2_20-.Ltmp17, $4  }
0x19d: {  	_ = 	snop  }
0x19e: {  	v14 =	vld.idx.msk [tilespmem:v21+s29+$0x0], $0xffff  }
0x19f: {  	v27 =	vmul.f32 v28, v5;
	v18 =	vld.idx.msk [tilespmem:v15+s19+$0x0], $0xffff  }
0x1a0: {  	p1 =	por $0x1, $0x1;
	v23 =	vmul.f32 v13, v6;
	v13 =	vld.idx.msk [tilespmem:v15+s4+$0x0], $0xffff;
	v30 =	vmul.f32 v16, v4  }
0x1a1: {  	_ =	sdelay $0x2  }
0x1a2: {  	v21 =	vmov s11;
	s10 =	sadd.s32 $0x1, s2  }
0x1a3: {  	v16 =	vld.idx.msk [tilespmem:v15+s18+$0x0], $0xffff;
	p4 =	slt.s32 s10, s9  }
.Ltmp18:
0x1a4: {  	v17 =	vadd.f32 v30, v23;
	(pc) =	sbr.rel @!p4 .LBB2_22-.Ltmp18, $4  }
0x1a5: {  	_ = 	snop  }
0x1a6: {  	v15 =	vld.idx.msk [tilespmem:v15+s29+$0x0], $0xffff;
	v20 =	vadd.f32 v27, v17  }
0x1a7: {  	v18 =	vmul.f32 v18, v5;
	v28 =	vld.idx.msk [tilespmem:v21+s19+$0x0], $0xffff  }
0x1a8: {  	p2 =	por $0x1, $0x1;
	v17 =	vmul.f32 v13, v6;
	v13 =	vld.idx.msk [tilespmem:v21+s4+$0x0], $0xffff;
	v19 =	vmul.f32 v16, v4;
	v20 =	vsub.f32 v14, v20  }
0x1a9: {  	_ =	sdelay $0x2  }
0x1aa: {  	v33 =	vmov s2;
	s12 =	sadd.s32 $0x1, s10;
	v14 =	vadd.f32 v19, v17  }
0x1ab: {  	v22 =	vld.idx.msk [tilespmem:v21+s18+$0x0], $0xffff;
	vm1 =	vlt.f32 v20, v12;
	vm2 =	vlt.f32 v20, v11;
	p4 =	slt.s32 s12, s9  }
.Ltmp19:
0x1ac: {  	vm0 =	vlt.f32 v20, v10;
	v23 =	vsel vm1, v20, v12;
	v32 =	vadd.f32 v18, v14;
	v14 =	vld.idx.msk [tilespmem:v21+s29+$0x0], $0xffff;
	(pc) =	sbr.rel @!p4 .LBB2_24-.Ltmp19, $4  }
0x1ad: {  	v24 =	vsel vm1, s3, v9;
	v25 =	vsel vm2, v20, v11;
	v16 =	vsel vm0, s3, v8  }
0x1ae: {  	v26 =	vsel vm0, v20, v10;
	v29 =	vsel vm2, v11, v23;
	v31 =	vsel vm2, v7, v24  }
0x1af: {  	v25 =	vsel vm0, v10, v25;
	v27 =	vmul.f32 v28, v5;
	v23 =	vmul.f32 v13, v6;
	v34 =	vld.idx.msk [tilespmem:v33+s19+$0x0], $0xffff  }
0x1b0: {  	p3 =	por $0x1, $0x1;
	s0 =	smov.u32 s5;
	v13 =	vld.idx.msk [tilespmem:v33+s4+$0x0], $0xffff;
	v30 =	vmul.f32 v22, v4;
	v22 =	vsub.f32 v15, v32;
	v32 =	vsel vm2, s3, v7;
	v24 =	vmovc v8  }
.LBB2_25:
0x1b1: {  	v21 =	vmov s10;
	v28 =	vld.idx.msk [tilespmem:v33+s18+$0x0], $0xffff;
	v32 =	vsel vm0, v24, v32;
	v35 =	vmovc v14;
	v24 =	vmov v16;
	s13 =	smov.u32 s10;
	s10 =	smov.u32 s12;
	s12 =	sadd.s32 $0x1, s12  }
0x1b2: {  	p4 =	slt.s32 s12, s9;
	v14 =	vld.idx.msk [tilespmem:v33+s29+$0x0], $0xffff;
	v23 =	vadd.f32 v30, v23;
	vm1 =	vlt.f32 v22, v29;
	vm2 =	vlt.f32 v22, v25  }
.Ltmp20:
0x1b3: {  	vm0 =	vlt.f32 v22, v26;
	v33 =	vmovc v21;
	v29 =	vsel vm1, v22, v29;
	v30 =	vsel vm1, s0, v31;
	(pc) =	sbr.rel @p4 .LBB2_25-.Ltmp20, $4  }
0x1b4: {  	v16 =	vsel vm0, s0, v16;
	v36 =	vadd.f32 v27, v23;
	v23 =	vsel vm2, v22, v25  }
0x1b5: {  	v29 =	vsel vm2, v25, v29;
	v31 =	vsel vm2, v32, v30;
	v25 =	vsel vm0, v26, v23  }
0x1b6: {  	v27 =	vmul.f32 v34, v5;
	v23 =	vmul.f32 v13, v6;
	v26 =	vsel vm0, v22, v26;
	v34 =	vld.idx.msk [tilespmem:v21+s19+$0x0], $0xffff  }
0x1b7: {  	v32 =	vsel vm2, s0, v32;
	s0 =	smov.u32 s11;
	s11 =	smov.u32 s2;
	s2 =	smov.u32 s13;
	v30 =	vmul.f32 v28, v4;
	v22 =	vsub.f32 v35, v36;
	v13 =	vld.idx.msk [tilespmem:v21+s4+$0x0], $0xffff  }
0x1b8: {  	_ =	sdelay $0x2  }
0x1b9: {  	s9 =	smov.u32 s11;
	v21 =	vmov v33;
	s11 =	smov.u32 s2;
	v28 =	vmov v34  }
.LBB2_27:
0x1ba: {  	_ = 	snop  }
0x1bb: {  	v33 =	vmov s10;
	v24 =	vsel @p3 vm0, v24, v32  }
0x1bc: {  	v23 =	vadd.f32 @p1 v30, v23;
	vm0 =	vlt.f32 @p2 v22, v29;
	vm1 =	vlt.f32 @p2 v22, v25  }
0x1bd: {  	vm2 =	vlt.f32 @p2 v22, v26;
	v13 =	vmul.f32 @p0 v13, v6;
	v28 =	vmul.f32 @p0 v28, v5  }
0x1be: {  	v32 =	vld.idx.msk @p0 [tilespmem:v21+s18+$0x0], $0xffff;
	v29 =	vsel @p2 vm0, v22, v29;
	v30 =	vsel @p2 vm0, s0, v31;
	v24 =	vpsel p3, v24, v7  }
0x1bf: {  	v21 =	vld.idx.msk @p0 [tilespmem:v21+s29+$0x0], $0xffff;
	v31 =	vsel @p2 vm2, s0, v16;
	vm0 =	vmmov @p2 vm2;
	v16 =	vpsel p2, v16, v0  }
0x1c0: {  	v23 =	vadd.f32 @p1 v27, v23;
	v27 =	vsel @p2 vm1, v22, v25;
	v25 =	vsel @p2 vm1, v25, v29  }
0x1c1: {  	v29 =	vsel @p2 vm1, v24, v30;
	v22 =	vsel @p2 vm2, v22, v26;
	v13 =	vpsel p0, v13, v17  }
0x1c2: {  	v18 =	vpsel p0, v28, v18;
	v27 =	vsel @p2 vm2, v26, v27;
	v22 =	vpsel p2, v22, v10  }
0x1c3: {  	v14 =	vsub.f32 @p1 v14, v23;
	v23 =	vsel @p2 vm1, s0, v24;
	v24 =	vpsel p2, v27, v11  }
0x1c4: {  	v26 =	vmul.f32 @p0 v32, v4;
	v23 =	vpsel p2, v23, v0;
	v15 =	vpsel p0, v21, v15  }
0x1c5: {  	v21 =	vpsel p2, v31, v8;
	v60 =	vld.idx.msk [tilespmem:v33+s19+$0x0], $0xffff;
	v14 =	vpsel p1, v14, v20;
	v20 =	vpsel p2, v25, v12  }
0x1c6: {  	v61 =	vld.idx.msk [tilespmem:v33+s4+$0x0], $0xffff;
	v16 =	vsel @p2 vm0, v16, v23;
	v17 =	vpsel p0, v26, v19;
	v26 =	vpsel p2, v29, v9  }
0x1c7: {  	s0 =	smov.u32 @p1 s9;
	v62 =	vld.idx.msk [tilespmem:v33+s18+$0x0], $0xffff;
	vm0 =	vlt.f32 @p1 v14, v20;
	vm1 =	vlt.f32 @p1 v14, v24;
	vm2 =	vlt.f32 @p1 v14, v22  }
0x1c8: {  	s3 =	smov.u32 @p1 s0;
	v16 =	vpsel p2, v16, v7;
	v13 =	vadd.f32 @p0 v17, v13;
	v17 =	vsel @p1 vm0, v14, v20  }
0x1c9: {  	v20 =	vsel @p1 vm0, s3, v26;
	v26 =	vsel @p1 vm2, s3, v21;
	vm0 =	vmmov @p1 vm2  }
0x1ca: {  	v17 =	vsel @p1 vm1, v24, v17;
	v20 =	vsel @p1 vm1, v16, v20;
	v13 =	vadd.f32 @p0 v18, v13  }
0x1cb: {  	v18 =	vsel @p1 vm1, v14, v24;
	v6 =	vmul.f32 v61, v6;
	v5 =	vmul.f32 v60, v5  }
0x1cc: {  	v14 =	vsel @p1 vm2, v14, v22;
	v4 =	vmul.f32 v62, v4;
	v17 =	vpsel p1, v17, v12  }
0x1cd: {  	v19 =	vmovc @p1 v21;
	v20 =	vpsel p1, v20, v9;
	v18 =	vsel @p1 vm2, v22, v18;
	v14 =	vpsel p1, v14, v10  }
0x1ce: {  	v13 =	vsub.f32 @p0 v15, v13;
	v15 =	vsel @p1 vm1, s3, v16;
	v16 =	vpsel p1, v19, v0  }
0x1cf: {  	s0 =	smov.u32 @p0 s11;
	v63 =	vld.idx.msk [tilespmem:v33+s29+$0x0], $0xffff;
	v19 =	vpsel p1, v26, v8;
	v4 =	vadd.f32 v4, v6;
	v15 =	vpsel p1, v15, v0  }
0x1d0: {  	s5 =	smov.u32 @p0 s0;
	v18 =	vpsel p1, v18, v11;
	v13 =	vpsel p0, v13, v0;
	v15 =	vsel @p1 vm0, v16, v15  }
0x1d1: {  	s0 =	smov.u32 @p0 s5;
	v4 =	vadd.f32 v5, v4;
	vm0 =	vlt.f32 @p0 v13, v17;
	vm1 =	vlt.f32 @p0 v13, v18  }
0x1d2: {  	s0 =	smov.u32 @p0 s0;
	vm2 =	vlt.f32 @p0 v13, v14;
	v15 =	vpsel p1, v15, v7;
	v6 =	vsel @p0 vm0, v13, v17  }
0x1d3: {  	v16 =	vsel @p0 vm0, s0, v20;
	v5 =	vsel @p0 vm1, v13, v18;
	v17 =	vsel @p0 vm2, s0, v19  }
0x1d4: {  	v13 =	vsel @p0 vm2, v13, v14;
	v4 =	vsub.f32 v63, v4;
	vm0 =	vmmov @p0 vm2  }
0x1d5: {  	v6 =	vsel @p0 vm1, v18, v6;
	v16 =	vsel @p0 vm1, v15, v16;
	v5 =	vsel @p0 vm2, v14, v5  }
0x1d6: {  	v18 =	vmovc @p0 v19;
	v14 =	vsel @p0 vm1, s0, v15;
	v17 =	vpsel p0, v17, v8;
	v8 =	vpsel p0, v13, v10  }
.Ltmp21:
0x1d7: {  	v15 =	vpsel p0, v18, v0;
	v14 =	vpsel p0, v14, v0;
	v6 =	vpsel p0, v6, v12;
	(pc) =	sbr.rel .LBB2_37-.Ltmp21, $4  }
0x1d8: {  	v5 =	vpsel p0, v5, v11;
	v9 =	vpsel p0, v16, v9;
	v10 =	vsel @p0 vm0, v15, v14  }
0x1d9: {  	vm13 =	vlt.f32 v4, v6;
	vm14 =	vlt.f32 v4, v5;
	v5 =	vpsel p0, v10, v7  }
0x1da: {  	vm15 =	vlt.f32 v4, v8;
	v4 =	vsel vm13, s10, v9;
	v6 =	vsel vm14, s10, v5  }
0x1db: {  	v8 =	vsel vm15, s10, v17;
	v9 =	vsel vm14, v5, v4;
	v7 =	vsel vm15, v17, v6  }
.LBB2_8:
.Ltmp22:
0x1dc: {  	(pc) =	sbr.rel .LBB2_13-.Ltmp22, $3  }
0x1dd: {  	_ =	sdelay $0x1  }
0x1de: {  	v26 =	vimm.s32 $0x0  }
0x1df: {  	v29 =	vimm.f32 $+Inf;
	v28 =	vimm.s32 $0x0;
	v25 =	vimm.f32 $+Inf  }
.LBB2_31:
.Ltmp23:
0x1e0: {  	(pc) =	sbr.rel .LBB2_36-.Ltmp23, $2  }
0x1e1: {  	_ =	sdelay $0x2  }
0x1e2: {  	_ = 	snop  }
.LBB2_10:
.Ltmp24:
0x1e3: {  	s24 =	smov.u32 s31;
	s25 =	smov.u32 s3;
	(pc) =	sbr.rel .LBB2_13-.Ltmp24, $4  }
0x1e4: {  	s2 =	smov.u32 s5;
	s0 =	smov.u32 s16;
	s31 =	smov.u32 s15  }
0x1e5: {  	v26 =	vimm.s32 $0x0;
	v33 =	vmovc v11;
	v32 =	vmov v10;
	vm3 =	vmmov vm1;
	s3 =	smov.u32 s14;
	s5 =	smov.u32 s13;
	s16 =	smov.u32 s12  }
0x1e6: {  	v35 =	vmovc v9;
	v29 =	vimm.f32 $+Inf;
	v11 =	vmovc v34;
	v28 =	vimm.s32 $0x0;
	vm2 =	vmmov vm1;
	s14 =	smov.u32 s6;
	s6 =	smov.u32 s1;
	s1 =	smov.u32 s30  }
0x1e7: {  	v25 =	vimm.f32 $+Inf;
	v10 =	vmovc v31;
	v17 =	vmovc v15;
	s15 =	simm.s32 $0x5A80;
	s26 =	simm.s32 $0x5B00;
	s30 =	simm.s32 $0x40;
	v9 =	vmov v23;
	v23 =	vmov v16  }
.LBB2_33:
.Ltmp25:
0x1e8: {  	(pc) =	sbr.rel .LBB2_36-.Ltmp25, $3  }
0x1e9: {  	_ =	sdelay $0x1  }
0x1ea: {  	s2 =	smov.u32 s9;
	s13 =	smov.u32 s10  }
0x1eb: {  	s10 =	smov.u32 s0;
	s9 =	smov.u32 s12;
	v24 =	vmov v12;
	s3 =	smov.u32 s5  }
.LBB2_16:
.Ltmp26:
0x1ec: {  	(pc) =	sbr.rel .LBB2_27-.Ltmp26, $2  }
0x1ed: {  	_ =	sdelay $0x2  }
0x1ee: {  	s10 =	smov.u32 s3;
	v16 =	vmovc v8;
	v29 =	vmovc v12;
	v25 =	vmov v11;
	v26 =	vmov v10;
	v31 =	vmov v9  }
.LBB2_18:
.Ltmp27:
0x1ef: {  	(pc) =	sbr.rel .LBB2_27-.Ltmp27, $2  }
0x1f0: {  	_ =	sdelay $0x2  }
0x1f1: {  	s10 =	smov.u32 s5;
	s11 =	smov.u32 s3;
	v16 =	vmovc v8;
	v29 =	vmovc v12;
	v25 =	vmov v11;
	v26 =	vmov v10;
	v31 =	vmov v9  }
.LBB2_20:
.Ltmp28:
0x1f2: {  	(pc) =	sbr.rel .LBB2_27-.Ltmp28, $3  }
0x1f3: {  	_ =	sdelay $0x1  }
0x1f4: {  	v21 =	vmov v15;
	v16 =	vmov v8  }
0x1f5: {  	s10 =	smov.u32 s11;
	s9 =	smov.u32 s3;
	s11 =	smov.u32 s5;
	v29 =	vmovc v12;
	v25 =	vmovc v11;
	v26 =	vmov v10;
	v31 =	vmov v9;
	v28 =	vmov v18  }
.LBB2_22:
.Ltmp29:
0x1f6: {  	(pc) =	sbr.rel .LBB2_27-.Ltmp29, $3  }
0x1f7: {  	_ =	sdelay $0x1  }
0x1f8: {  	v16 =	vmovc v8;
	v29 =	vmovc v12;
	v25 =	vmov v11;
	v26 =	vmov v10;
	v31 =	vmov v9  }
0x1f9: {  	s10 =	smov.u32 s2;
	s0 =	smov.u32 s3;
	v27 =	vmovc v18;
	s9 =	smov.u32 s5;
	v23 =	vmovc v17;
	v30 =	vmov v19;
	v22 =	vmov v20;
	v14 =	vmov v15  }
.LBB2_24:
.Ltmp30:
0x1fa: {  	(pc) =	sbr.rel .LBB2_27-.Ltmp30, $2  }
0x1fb: {  	_ =	sdelay $0x2  }
0x1fc: {  	s9 =	smov.u32 s11;
	v21 =	vmov v33;
	v24 =	vmov v8;
	s0 =	smov.u32 s5;
	s11 =	smov.u32 s2;
	v28 =	vmov v34  }
.LBB2_38:
0x1fd: {  	s7 =	sshll.u32 s8, $0x6  }
0x1fe: {  	s0 =	sadd.s32 $0x5B80, s7  }
0x1ff: {  	[tilespmem:s16], [sflag:$0x1] =	stream.indirect.gather [hbm4b:s1+s30], $0x80, s0, s30, $0xb8;
	[tilespmem:$0xE780] =	vst v63  }
0x200: {  	s12 =	sadd.s32 $0x5D80, s7  }
0x201: {  	[tilespmem:s24], [sflag:$0x1] =	stream.indirect.gather [hbm4b:s1+s30], $0x80, s12, s30, $0xb8;
	[tilespmem:$0xE780] =	vst v63  }
0x202: {  	s13 =	sadd.s32 $0x5F80, s7  }
0x203: {  	[tilespmem:s25], [sflag:$0x1] =	stream.indirect.gather [hbm4b:s1+s30], $0x80, s13, s30, $0xb8;
	[tilespmem:$0xE780] =	vst v63  }
0x204: {  	_ =	swait.ge [sflag:s28], $0x2000  }
0x205: {  	[sflag:s28] =	ssyncset.done $0x0  }
0x206: {  	[sflag:s28] =	ssyncadd.s32 $0xFFFFE000  }
0x207: {  	_ =	swait.ge [sflag:s28], $0x2000  }
0x208: {  	[sflag:s28] =	ssyncset.done $0x0  }
0x209: {  	[sflag:s28] =	ssyncadd.s32 $0xFFFFE000  }
0x20a: {  	_ =	swait.ge [sflag:s28], $0x2000  }
0x20b: {  	[sflag:s28] =	ssyncset.done $0x0  }
0x20c: {  	s3 =	simm.s32 $0x0;
	[sflag:s28] =	ssyncadd.s32 $0xFFFFE000  }
0x20d: {  	v5 =	vld [tilespmem:s3+$0xA790]  }
0x20e: {  	v1 =	vld [tilespmem:s3+$0xA7B0]  }
0x20f: {  	v2 =	vld [tilespmem:s3+$0xA7C0]  }
0x210: {  	v3 =	vld [tilespmem:s3+$0xA7D0]  }
0x211: {  	v7 =	vmov s9;
	v6 =	vld [tilespmem:s3+$0xA7E0]  }
0x212: {  	v8 =	vld [tilespmem:s3+$0x67D0]  }
0x213: {  	v9 =	vld [tilespmem:s3+$0x87D0]  }
0x214: {  	v10 =	vld [tilespmem:s3+$0x67E0]  }
0x215: {  	v12 =	vld [tilespmem:s3+$0x67F0]  }
0x216: {  	v13 =	vld.idx.msk [tilespmem:v7+s21+$0x0], $0xffff  }
0x217: {  	v14 =	vld.idx.msk [tilespmem:v7+s22+$0x0], $0xffff  }
0x218: {  	v15 =	vld [tilespmem:s3+$0x87F0]  }
0x219: {  	v7 =	vld.idx.msk [tilespmem:v7+s23+$0x0], $0xffff  }
0x21a: {  	v16 =	vld [tilespmem:s3+$0xA7F0]  }
0x21b: {  	v11 =	vld [tilespmem:s3+$0x87E0]  }
0x21c: {  	v17 =	vld [tilespmem:s3+$0x67C0]  }
0x21d: {  	v18 =	vld [tilespmem:s3+$0x87C0];
	v12 =	vmul.f32 v12, v13;
	v15 =	vmul.f32 v15, v14  }
0x21e: {  	v19 =	vld [tilespmem:s3+$0x67B0];
	v8 =	vmul.f32 v8, v13  }
0x21f: {  	v20 =	vld [tilespmem:s3+$0x87B0];
	v9 =	vmul.f32 v9, v14;
	v58 =	vmul.f32 v16, v7;
	v12 =	vadd.f32 v15, v12  }
0x220: {  	v21 =	vld [tilespmem:s3+$0x67A0];
	v10 =	vmul.f32 v10, v13;
	v11 =	vmul.f32 v11, v14  }
0x221: {  	v59 =	vld [tilespmem:s3+$0x87A0];
	v3 =	vmul.f32 v3, v7;
	v8 =	vadd.f32 v9, v8;
	v9 =	vadd.f32 v58, v12  }
0x222: {  	v22 =	vld [tilespmem:s3+$0x6790];
	v6 =	vmul.f32 v6, v7;
	v10 =	vadd.f32 v11, v10  }
0x223: {  	v60 =	vld [tilespmem:s3+$0x8790];
	v3 =	vadd.f32 v3, v8;
	v8 =	vmul.f32 v17, v13;
	[tilespmem:s3+$0xC7F0] =	vst v9;
	v9 =	vmul.f32 v18, v14  }
0x224: {  	v4 =	vld [tilespmem:s3+$0xA7A0];
	v2 =	vmul.f32 v2, v7;
	v6 =	vadd.f32 v6, v10  }
0x225: {  	v11 =	vld [tilespmem:s3+$0x8780];
	v10 =	vmul.f32 v20, v14;
	[tilespmem:s3+$0xC7D0] =	vst v3;
	v3 =	vadd.f32 v9, v8;
	v9 =	vmul.f32 v19, v13  }
0x226: {  	s5 =	simm.s32 $0x80;
	v61 =	vld [tilespmem:s3+$0x6780];
	v16 =	vmul.f32 v59, v14;
	[tilespmem:s3+$0xC7E0] =	vst v6;
	v6 =	vmul.f32 v1, v7  }
0x227: {  	v1 =	vld [tilespmem:s5+$0xA7A0];
	v3 =	vadd.f32 v2, v3;
	v9 =	vadd.f32 v10, v9;
	v10 =	vmul.f32 v21, v13  }
0x228: {  	v62 =	vmul.f32 v22, v13;
	v12 =	vmul.f32 v60, v14;
	v8 =	vld [tilespmem:s3+$0xA780]  }
0x229: {  	v2 =	vld [tilespmem:s5+$0xA790];
	[tilespmem:s3+$0xC7C0] =	vst v3;
	v6 =	vadd.f32 v6, v9;
	v9 =	vmul.f32 v4, v7;
	v10 =	vadd.f32 v16, v10  }
0x22a: {  	v12 =	vadd.f32 v12, v62;
	v11 =	vmul.f32 v11, v14;
	v3 =	vld [tilespmem:s5+$0xA7B0]  }
0x22b: {  	v13 =	vmul.f32 v61, v13;
	v4 =	vld [tilespmem:s5+$0xA7C0];
	[tilespmem:s3+$0xC7B0] =	vst v6;
	v9 =	vadd.f32 v9, v10;
	v10 =	vmul.f32 v5, v7  }
0x22c: {  	v6 =	vld [tilespmem:s5+$0xA7D0]  }
0x22d: {  	s0 =	sadd.s32 $0x1, s9;
	v11 =	vadd.f32 v11, v13;
	v63 =	vmul.f32 v8, v7;
	v5 =	vld [tilespmem:s5+$0xA7E0];
	[tilespmem:s3+$0xC7A0] =	vst v9;
	v12 =	vadd.f32 v10, v12  }
0x22e: {  	v9 =	vmov s0;
	v8 =	vld [tilespmem:s5+$0x67D0]  }
0x22f: {  	s2 =	simm.s32 $0x400;
	v10 =	vadd.f32 v63, v11;
	v7 =	vld [tilespmem:s5+$0x87D0];
	[tilespmem:s3+$0xC790] =	vst v12  }
.LBB2_39:
0x230: {  	p0 =	sne.s32 s2, $0x7E00;
	v11 =	vld [tilespmem:s5+$0x67E0]  }
0x231: {  	v12 =	vld [tilespmem:s5+$0x87E0];
	[tilespmem:s3+$0xC780] =	vst v10;
	s3 =	smov.u32 s5  }
0x232: {  	v10 =	vld [tilespmem:s3+$0x67F0]  }
0x233: {  	v13 =	vld.idx.msk [tilespmem:v9+s21+$0x0], $0xffff  }
0x234: {  	v14 =	vld.idx.msk [tilespmem:v9+s22+$0x0], $0xffff  }
0x235: {  	v15 =	vld [tilespmem:s3+$0x87F0]  }
0x236: {  	v9 =	vld.idx.msk [tilespmem:v9+s23+$0x0], $0xffff  }
0x237: {  	v16 =	vld [tilespmem:s3+$0xA7F0]  }
0x238: {  	v17 =	vld [tilespmem:s3+$0x67C0]  }
0x239: {  	v8 =	vmul.f32 v8, v13;
	v11 =	vmul.f32 v11, v13;
	v18 =	vld [tilespmem:s3+$0x87C0]  }
0x23a: {  	v10 =	vmul.f32 v10, v13;
	v19 =	vld [tilespmem:s3+$0x67B0];
	v15 =	vmul.f32 v15, v14  }
0x23b: {  	v7 =	vmul.f32 v7, v14;
	v12 =	vmul.f32 v12, v14;
	v20 =	vld [tilespmem:s3+$0x87B0]  }
0x23c: {  	v6 =	vmul.f32 v6, v9;
	v21 =	vld [tilespmem:s3+$0x67A0];
	v10 =	vadd.f32 v15, v10;
	v15 =	vmul.f32 v16, v9  }
0x23d: {  	v7 =	vadd.f32 v7, v8;
	v8 =	vadd.f32 v12, v11;
	v5 =	vmul.f32 v5, v9;
	v16 =	vld [tilespmem:s3+$0x87A0]  }
0x23e: {  	v12 =	vmul.f32 v17, v13;
	v11 =	vld [tilespmem:s3+$0x6790];
	v17 =	vmul.f32 v18, v14;
	v10 =	vadd.f32 v15, v10  }
0x23f: {  	v4 =	vmul.f32 v4, v9;
	v6 =	vadd.f32 v6, v7;
	v5 =	vadd.f32 v5, v8;
	v15 =	vld [tilespmem:s3+$0x8790]  }
0x240: {  	v8 =	vmul.f32 v19, v13;
	v7 =	vld [tilespmem:s3+$0x6780];
	v18 =	vmul.f32 v20, v14;
	v12 =	vadd.f32 v17, v12;
	[tilespmem:s3+$0xC7F0] =	vst v10  }
0x241: {  	v3 =	vmul.f32 v3, v9;
	v10 =	vld [tilespmem:s3+$0x8780];
	v17 =	vmul.f32 v21, v13;
	[tilespmem:s3+$0xC7D0] =	vst v6  }
0x242: {  	s5 =	sshra.s32 s2, $0x2;
	v19 =	vld [tilespmem:s3+$0xA780];
	v6 =	vmul.f32 v16, v14;
	v8 =	vadd.f32 v18, v8;
	v4 =	vadd.f32 v4, v12;
	[tilespmem:s3+$0xC7E0] =	vst v5  }
0x243: {  	v12 =	vld [tilespmem:s5+$0xA790];
	v5 =	vmul.f32 v11, v13;
	v11 =	vmul.f32 v1, v9  }
0x244: {  	v1 =	vld [tilespmem:s5+$0xA7A0];
	v15 =	vmul.f32 v15, v14;
	v6 =	vadd.f32 v6, v17;
	v8 =	vadd.f32 v3, v8;
	[tilespmem:s3+$0xC7C0] =	vst v4  }
0x245: {  	v16 =	vmul.f32 v2, v9;
	v3 =	vld [tilespmem:s5+$0xA7B0];
	v7 =	vmul.f32 v7, v13  }
.Ltmp31:
0x246: {  	v4 =	vld [tilespmem:s5+$0xA7C0];
	v10 =	vmul.f32 v10, v14;
	v13 =	vadd.f32 v15, v5;
	v11 =	vadd.f32 v11, v6;
	[tilespmem:s3+$0xC7B0] =	vst v8;
	(pc) =	sbr.rel @p0 .LBB2_39-.Ltmp31, $4  }
0x247: {  	v6 =	vld [tilespmem:s5+$0xA7D0];
	v14 =	vmul.f32 v19, v9  }
0x248: {  	s0 =	sadd.s32 $0x1, s0;
	v5 =	vld [tilespmem:s5+$0xA7E0];
	v10 =	vadd.f32 v10, v7;
	v13 =	vadd.f32 v16, v13;
	[tilespmem:s3+$0xC7A0] =	vst v11;
	v2 =	vmov v12  }
0x249: {  	v9 =	vmov s0;
	v8 =	vld [tilespmem:s5+$0x67D0]  }
0x24a: {  	s2 =	sadd.s32 $0x200, s2;
	v7 =	vld [tilespmem:s5+$0x87D0];
	v10 =	vadd.f32 v14, v10;
	[tilespmem:s3+$0xC790] =	vst v13  }
0x24b: {  	_ = 	snop  }
0x24c: {  	v11 =	vld [tilespmem:s5+$0x67E0]  }
0x24d: {  	v12 =	vld [tilespmem:s5+$0x87E0];
	[tilespmem:s3+$0xC780] =	vst v10  }
0x24e: {  	v10 =	vld [tilespmem:s5+$0x67F0]  }
0x24f: {  	v13 =	vld.idx.msk [tilespmem:v9+s21+$0x0], $0xffff  }
0x250: {  	v14 =	vld.idx.msk [tilespmem:v9+s22+$0x0], $0xffff  }
0x251: {  	v15 =	vld [tilespmem:s5+$0x87F0]  }
0x252: {  	v44 =	vld.idx.msk [tilespmem:v9+s23+$0x0], $0xffff  }
0x253: {  	v16 =	vld [tilespmem:s5+$0xA7F0]  }
0x254: {  	v17 =	vld [tilespmem:s5+$0x67C0]  }
0x255: {  	v18 =	vld [tilespmem:s5+$0x87C0]  }
0x256: {  	v19 =	vld [tilespmem:s5+$0x67B0]  }
0x257: {  	v20 =	vld [tilespmem:s5+$0x87B0];
	v10 =	vmul.f32 v10, v13;
	v15 =	vmul.f32 v15, v14  }
0x258: {  	v21 =	vld [tilespmem:s5+$0x67A0];
	v8 =	vmul.f32 v8, v13;
	v7 =	vmul.f32 v7, v14  }
0x259: {  	v46 =	vld [tilespmem:s5+$0x87A0];
	v45 =	vmul.f32 v16, v44;
	v11 =	vmul.f32 v11, v13  }
0x25a: {  	v22 =	vld [tilespmem:s5+$0x6790];
	v12 =	vmul.f32 v12, v14;
	v6 =	vmul.f32 v6, v44  }
0x25b: {  	v48 =	vld [tilespmem:s5+$0x8790];
	v5 =	vmul.f32 v5, v44;
	v50 =	vmul.f32 v17, v13  }
0x25c: {  	v49 =	vld [tilespmem:s5+$0x6780];
	v51 =	vmul.f32 v18, v14;
	v4 =	vmul.f32 v4, v44  }
0x25d: {  	v53 =	vmul.f32 v19, v13;
	v54 =	vmul.f32 v20, v14  }
0x25e: {  	v52 =	vld [tilespmem:s5+$0x8780];
	v56 =	vmul.f32 v21, v13;
	v16 =	vmul.f32 v46, v14;
	v10 =	vadd.f32 v15, v10  }
0x25f: {  	v58 =	vmul.f32 v22, v13;
	v1 =	vmul.f32 v1, v44;
	v7 =	vadd.f32 v7, v8  }
0x260: {  	v57 =	vld [tilespmem:s5+$0xA780];
	v59 =	vmul.f32 v48, v14;
	v11 =	vadd.f32 v12, v11;
	v47 =	vadd.f32 v45, v10  }
0x261: {  	v60 =	vmul.f32 v49, v13;
	v55 =	vadd.f32 v51, v50;
	v6 =	vadd.f32 v6, v7  }
0x262: {  	v2 =	vmul.f32 v2, v44;
	v61 =	vadd.f32 v59, v58;
	v5 =	vadd.f32 v5, v11;
	[tilespmem:s5+$0xC7F0] =	vst v47  }
0x263: {  	v8 =	vmul.f32 v52, v14;
	v4 =	vadd.f32 v4, v55;
	v7 =	vadd.f32 v16, v56;
	[tilespmem:s5+$0xC7D0] =	vst v6  }
0x264: {  	v3 =	vmul.f32 v3, v44;
	v11 =	vadd.f32 v54, v53;
	v2 =	vadd.f32 v2, v61;
	[tilespmem:s5+$0xC7E0] =	vst v5  }
0x265: {  	v62 =	vmul.f32 v57, v44;
	v63 =	vadd.f32 v8, v60;
	[tilespmem:s5+$0xC7C0] =	vst v4;
	v1 =	vadd.f32 v1, v7  }
0x266: {  	v3 =	vadd.f32 v3, v11;
	[tilespmem:s5+$0xC790] =	vst v2  }
0x267: {  	s0 =	sadd.s32 s6, s7;
	s8 =	sadd.s32 $0x1, s8;
	[tilespmem:s5+$0xC7A0] =	vst v1;
	v1 =	vadd.f32 v62, v63  }
0x268: {  	s0 =	sshll.u32 s0, $0x4;
	p0 =	sne.s32 s8, $0x8;
	[tilespmem:s5+$0xC7B0] =	vst v3  }
.Ltmp32:
0x269: {  	s0 =	sadd.s32 s14, s0;
	[tilespmem:s5+$0xC780] =	vst v1;
	(pc) =	sbr.rel @p0 .LBB2_38-.Ltmp32, $4  }
0x26a: {  	[hbm4b:s0+s4] =	stream.linear.scatter [tilespmem:s31], [sflag:$0x2], $0x2000, $0x38;
	[tilespmem:$0xE780] =	vst v63  }
0x26b: {  	_ =	swait.ge [sflag:s17], $0x2000  }
0x26c: {  	[sflag:s17] =	ssyncset.done $0x0  }
0x26d: {  	s9 =	sadd.s32 $0x40, s9;
	[sflag:s17] =	ssyncadd.s32 $0xFFFFE000  }
0x26e: {  	s2 =	rddreg [dreg:$0x12]  }
0x26f: {  	s0 =	rddreg [dreg:$0x11];
	s2 =	sadd.s32 $0x1, s2  }
0x270: {  	p0 =	sne.s32 s2, s0  }
.Ltmp33:
0x271: {  	_ = 	snop;
	(pc) =	sbr.rel @p0 .LBB2_1-.Ltmp33, $1  }
0x272: {  	_ =	sdelay $0x3  }
0x273: {  	_ =	sfence.sel $0x180000  }
0x274: {  	[bflag:$0x0] =	sbarrier.arrive $0xFFFF  }
0x275: {  	_ =	strace $0x90000047  }
0x276: {  	s0 =	stileid.u32;
	[bflag:$0x2] =	sbarrier.arrive $0xFFFF  }
0x277: {  	p0 =	sne.s32 s0, $0x0;
	s0 =	rddreg [dreg:$0x6]  }
0x278: {  	s0 =	sadd.s32 @!p0 $0x100000, s0  }
0x279: {  	[sflag:s0] =	ssyncadd.tile.s32 @!p0 $0x1;
	_ =	shalt  }
.Lfunc_end2:
_tile_overlayer_lowered:
.L_overlay_start_2:
0x27a: {  	(tag) =	ssettag $0x2  }
0x27b: {  	s0 =	rddreg [dreg:$0x0];
	s2 =	stileid.u32  }
0x27c: {  	s1 =	rddreg [dreg:$0x1];
	p0 =	sne.s32 s2, $0x0  }
0x27d: {  	s3 =	rddreg [dreg:$0x2];
	[bflag:$0x3] =	sbarrier.arrive $0xFFFF;
	s2 =	simm.s32 @!p0 $0x1C02  }
0x27e: {  	[timem:s3], [sflag:s2] =	dma.local @!p0 [hbm:s0], s1  }
0x27f: {  	s0 =	simm.s32 @!p0 $0x2  }
0x280: {  	_ =	swait.ge @!p0 [sflag:s0], s1  }
0x281: {  	s1 =	ssub.s32 @!p0 $0x0, s1;
	[sflag:s0] =	ssyncset.done @!p0 $0x0  }
0x282: {  	[sflag:s0] =	ssyncadd.s32 @!p0 s1  }
0x283: {  	[bflag:$0x3] =	sbarrier.arrive $0xFFFF  }
0x284: {  	_ =	shalt  }

</sc_bundles>
